<compile_context>
chip_gen: v7x
topology: tpu7x:2x2x1
jax: 0.10.2.dev20260603
libtpu: 0.0.44.dev20260713+nightly
codegen_flags: <defaults>
</compile_context>

<pallas_src>
import functools

import jax
import jax.numpy as jnp
from jax import lax
from jax.experimental import pallas as pl
from jax.experimental.pallas import tpu as pltpu
from jax.experimental.pallas import tpu_sc as plsc

_DEPTH = 1000
_BATCH = 16384

_NC = 2
_NS = 16
_L = 16
_NW = _NC * _NS
_COLS = _BATCH // _NW
_BAND = 120
_BANDS = [(r, min(_BAND, _DEPTH - r)) for r in range(0, _DEPTH, _BAND)]
_GROUPS = _COLS // _L


def _onehot_body(idx_hbm, out_hbm, idx_v, buf0, buf1, sem0, sem1):
    wid = lax.axis_index("s") * _NC + lax.axis_index("c")
    c0 = wid * _COLS

    pltpu.sync_copy(idx_hbm.at[pl.ds(c0, _COLS)], idx_v)

    zeros_v = jnp.zeros((_L,), jnp.float32)
    ones_v = jnp.full((_L,), 1.0, jnp.float32)
    lanes = lax.iota(jnp.int32, _L)

    def _zero(buf):
        def _row(r, carry):
            for u in range(_COLS // _L):
                buf[r, pl.ds(u * _L, _L)] = zeros_v
            return carry

        lax.fori_loop(0, _BAND, _row, 0)

    _zero(buf0)

    def _scatter(buf, r0, nr, value):
        def _group(g, carry):
            idxv = idx_v[pl.ds(g * _L, _L)]
            mask = (idxv >= r0) & (idxv < r0 + nr)
            rows = jnp.where(mask, idxv - r0, 0)
            cols = lanes + g * _L
            plsc.store_scatter(buf, [rows, cols], value, mask=mask)
            return carry

        lax.fori_loop(0, _GROUPS, _group, 0)

    bufs = [buf0, buf1]
    sems = [sem0, sem1]
    copies = [None, None]
    prev = [None, None]

    for c, (r0, nr) in enumerate(_BANDS):
        b = c % 2
        if c == 1:
            _zero(buf1)
        if copies[b] is not None:
            copies[b].wait()
            pr0, pnr = prev[b]
            _scatter(bufs[b], pr0, pnr, zeros_v)
        _scatter(bufs[b], r0, nr, ones_v)
        src = bufs[b] if nr == _BAND else bufs[b].at[pl.ds(0, nr), :]
        copies[b] = pltpu.async_copy(
            src,
            out_hbm.at[pl.ds(r0, nr), pl.ds(c0, _COLS)],
            sems[b],
        )
        prev[b] = (r0, nr)
    copies[0].wait()
    copies[1].wait()


_onehot_t = functools.partial(
    pl.kernel,
    out_type=jax.ShapeDtypeStruct((_DEPTH, _BATCH), jnp.float32),
    mesh=plsc.VectorSubcoreMesh(core_axis_name="c", subcore_axis_name="s"),
    scratch_types=[
        pltpu.VMEM((_COLS,), jnp.int32),
        pltpu.VMEM((_BAND, _COLS), jnp.float32),
        pltpu.VMEM((_BAND, _COLS), jnp.float32),
        pltpu.SemaphoreType.DMA,
        pltpu.SemaphoreType.DMA,
    ],
    compiler_params=pltpu.CompilerParams(needs_layout_passes=False),
)(_onehot_body)


def kernel(X_in, ones):
    del ones
    idx = X_in.astype(jnp.int32)
    out_t = _onehot_t(idx)
    return out_t.T

# --- scband reference (transcript-rebuilt; emitter-appended) ---
"""Pipeline reference for scband-one-hot-42417097016169 (READ-ONLY COPY).

The authoritative reference and input builder live on the scoring server;
editing this copy changes nothing except your own understanding.
"""

import jax, jax.numpy as jnp
import numpy as np

DEPTH = 1000
BATCH = 16384

def setup_inputs(seed: int = 0) -> dict:
    key = jax.random.key(seed)
    X_in = jax.random.randint(jax.random.fold_in(key, 0), (BATCH,), 0, DEPTH)
    # The module materializes an identity matrix of size [depth, depth] in __init__
    ones = jnp.eye(DEPTH, dtype=jnp.float32)
    return {"X_in": X_in, "ones": ones}

def reference(X_in, ones):
    # One_Hot.forward: self.ones.index_select(0, X_in.long())
    idx = X_in.astype(jnp.int64)
    return jnp.take(ones, idx, axis=0)

if __name__ == "__main__":
    import jax
    _d = setup_inputs()
    print(jax.jit(kernel)(*tuple(_d.values())))

</pallas_src>

<mosaic_0001>
#map = affine_map<(d0, d1) -> (0)>
#map1 = affine_map<(d0, d1) -> (0, 0)>
module attributes {stable_mosaic.version = 14 : i64} {
  func.func @_onehot_body(%arg0: i32, %arg1: i32, %arg2: memref<16384xi32, #tpu.memory_space<hbm>>, %arg3: memref<1000x16384xf32, #tpu.memory_space<hbm>>, %arg4: memref<512xi32, #tpu.memory_space<vmem>>, %arg5: memref<120x512xf32, #tpu.memory_space<vmem>>, %arg6: memref<120x512xf32, #tpu.memory_space<vmem>>, %arg7: memref<!tpu.dma_semaphore, #tpu.memory_space<semaphore_mem>>, %arg8: memref<!tpu.dma_semaphore, #tpu.memory_space<semaphore_mem>>) attributes {dimension_semantics = [#tpu.dimension_semantics<core_parallel>, #tpu.dimension_semantics<subcore_parallel>], iteration_bounds = array<i64: 2, 16>, scalar_prefetch = 0 : i64, scratch_operands = 5 : i64, tpu.core_type = #tpu.core_type<sc_vector_subcore>, window_params = [{transform_indices = #map}, {transform_indices = #map1}]} {
    %mul3A = arith.constant 2 : i32
    %mul3A_0 = arith.muli %arg1, %mul3A : i32
    %add3A = arith.addi %mul3A_0, %arg0 : i32
    %mul3A_1 = arith.constant 512 : i32
    %mul3A_2 = arith.muli %add3A, %mul3A_1 : i32
    "tpu.region"() ({
      %run_scoped3A = tpu.sem_alloc : memref<!tpu.dma_semaphore, #tpu.memory_space<semaphore_mem>>
      %dma_start3A_195 = tpu.memref_slice %arg2[%mul3A_2] : memref<16384xi32, #tpu.memory_space<hbm>> -> memref<512xi32, #tpu.memory_space<hbm>>
      %dma_start3A_196 = tpu.memref_slice %arg2[%mul3A_2] : memref<16384xi32, #tpu.memory_space<hbm>> -> memref<512xi32, #tpu.memory_space<hbm>>
      tpu.enqueue_dma source(%dma_start3A_196 : memref<512xi32, #tpu.memory_space<hbm>>) target(%arg4 : memref<512xi32, #tpu.memory_space<vmem>>) target_semaphore(%run_scoped3A : memref<!tpu.dma_semaphore, #tpu.memory_space<semaphore_mem>>)
      %dma_wait3A_197 = tpu.memref_slice %arg2[%mul3A_2] : memref<16384xi32, #tpu.memory_space<hbm>> -> memref<512xi32, #tpu.memory_space<hbm>>
      %dma_wait3A_198 = tpu.memref_slice %arg2[%mul3A_2] : memref<16384xi32, #tpu.memory_space<hbm>> -> memref<512xi32, #tpu.memory_space<hbm>>
      tpu.wait_dma2 semaphore(%run_scoped3A : memref<!tpu.dma_semaphore, #tpu.memory_space<semaphore_mem>>) src(%dma_wait3A_198 : memref<512xi32, #tpu.memory_space<hbm>>) dst(%arg4 : memref<512xi32, #tpu.memory_space<vmem>>)
      tpu.yield
    }) : () -> ()
    %broadcast_in_dim3A = arith.constant 0.000000e+00 : f32
    %broadcast_in_dim3A_3 = vector.broadcast %broadcast_in_dim3A : f32 to vector<16xf32>
    %broadcast_in_dim3A_4 = arith.constant 1.000000e+00 : f32
    %broadcast_in_dim3A_5 = vector.broadcast %broadcast_in_dim3A_4 : f32 to vector<16xf32>
    %iota3A = tpu.iota {dimensions = array<i32: 0>} : vector<16xi32>
    %scan3A = arith.constant 0 : i32
    %scan3A_6 = arith.constant 0 : i32
    %scan3A_7 = arith.constant 120 : i32
    %scan3A_8 = arith.addi %scan3A_6, %scan3A_7 : i32
    %scan3A_9 = arith.constant 1 : i32
    scf.for %scan3A_195 = %scan3A_6 to %scan3A_8 step %scan3A_9  : i32 {
      %swap3A = arith.index_cast %scan3A_195 : i32 to index
      %swap3A_196 = arith.constant 0 : index
      %swap3A_197 = tpu.vector_load %arg5[%swap3A, %swap3A_196] {strides = array<i32>} : memref<120x512xf32, #tpu.memory_space<vmem>>, vector<16xf32>,
      tpu.vector_store %arg5[%swap3A, %swap3A_196], %broadcast_in_dim3A_3 {strides = array<i32>} : memref<120x512xf32, #tpu.memory_space<vmem>>, vector<16xf32>,
      %swap3A_198 = arith.index_cast %scan3A_195 : i32 to index
      %swap3A_199 = arith.constant 16 : index
      %swap3A_200 = tpu.vector_load %arg5[%swap3A_198, %swap3A_199] {strides = array<i32>} : memref<120x512xf32, #tpu.memory_space<vmem>>, vector<16xf32>,
      tpu.vector_store %arg5[%swap3A_198, %swap3A_199], %broadcast_in_dim3A_3 {strides = array<i32>} : memref<120x512xf32, #tpu.memory_space<vmem>>, vector<16xf32>,
      %swap3A_201 = arith.index_cast %scan3A_195 : i32 to index
      %swap3A_202 = arith.constant 32 : index
      %swap3A_203 = tpu.vector_load %arg5[%swap3A_201, %swap3A_202] {strides = array<i32>} : memref<120x512xf32, #tpu.memory_space<vmem>>, vector<16xf32>,
      tpu.vector_store %arg5[%swap3A_201, %swap3A_202], %broadcast_in_dim3A_3 {strides = array<i32>} : memref<120x512xf32, #tpu.memory_space<vmem>>, vector<16xf32>,
      %swap3A_204 = arith.index_cast %scan3A_195 : i32 to index
      %swap3A_205 = arith.constant 48 : index
      %swap3A_206 = tpu.vector_load %arg5[%swap3A_204, %swap3A_205] {strides = array<i32>} : memref<120x512xf32, #tpu.memory_space<vmem>>, vector<16xf32>,
      tpu.vector_store %arg5[%swap3A_204, %swap3A_205], %broadcast_in_dim3A_3 {strides = array<i32>} : memref<120x512xf32, #tpu.memory_space<vmem>>, vector<16xf32>,
      %swap3A_207 = arith.index_cast %scan3A_195 : i32 to index
      %swap3A_208 = arith.constant 64 : index
      %swap3A_209 = tpu.vector_load %arg5[%swap3A_207, %swap3A_208] {strides = array<i32>} : memref<120x512xf32, #tpu.memory_space<vmem>>, vector<16xf32>,
      tpu.vector_store %arg5[%swap3A_207, %swap3A_208], %broadcast_in_dim3A_3 {strides = array<i32>} : memref<120x512xf32, #tpu.memory_space<vmem>>, vector<16xf32>,
      %swap3A_210 = arith.index_cast %scan3A_195 : i32 to index
      %swap3A_211 = arith.constant 80 : index
      %swap3A_212 = tpu.vector_load %arg5[%swap3A_210, %swap3A_211] {strides = array<i32>} : memref<120x512xf32, #tpu.memory_space<vmem>>, vector<16xf32>,
      tpu.vector_store %arg5[%swap3A_210, %swap3A_211], %broadcast_in_dim3A_3 {strides = array<i32>} : memref<120x512xf32, #tpu.memory_space<vmem>>, vector<16xf32>,
      %swap3A_213 = arith.index_cast %scan3A_195 : i32 to index
      %swap3A_214 = arith.constant 96 : index
      %swap3A_215 = tpu.vector_load %arg5[%swap3A_213, %swap3A_214] {strides = array<i32>} : memref<120x512xf32, #tpu.memory_space<vmem>>, vector<16xf32>,
      tpu.vector_store %arg5[%swap3A_213, %swap3A_214], %broadcast_in_dim3A_3 {strides = array<i32>} : memref<120x512xf32, #tpu.memory_space<vmem>>, vector<16xf32>,
      %swap3A_216 = arith.index_cast %scan3A_195 : i32 to index
      %swap3A_217 = arith.constant 112 : index
      %swap3A_218 = tpu.vector_load %arg5[%swap3A_216, %swap3A_217] {strides = array<i32>} : memref<120x512xf32, #tpu.memory_space<vmem>>, vector<16xf32>,
      tpu.vector_store %arg5[%swap3A_216, %swap3A_217], %broadcast_in_dim3A_3 {strides = array<i32>} : memref<120x512xf32, #tpu.memory_space<vmem>>, vector<16xf32>,
      %swap3A_219 = arith.index_cast %scan3A_195 : i32 to index
      %swap3A_220 = arith.constant 128 : index
      %swap3A_221 = tpu.vector_load %arg5[%swap3A_219, %swap3A_220] {strides = array<i32>} : memref<120x512xf32, #tpu.memory_space<vmem>>, vector<16xf32>,
      tpu.vector_store %arg5[%swap3A_219, %swap3A_220], %broadcast_in_dim3A_3 {strides = array<i32>} : memref<120x512xf32, #tpu.memory_space<vmem>>, vector<16xf32>,
      %swap3A_222 = arith.index_cast %scan3A_195 : i32 to index
      %swap3A_223 = arith.constant 144 : index
      %swap3A_224 = tpu.vector_load %arg5[%swap3A_222, %swap3A_223] {strides = array<i32>} : memref<120x512xf32, #tpu.memory_space<vmem>>, vector<16xf32>,
      tpu.vector_store %arg5[%swap3A_222, %swap3A_223], %broadcast_in_dim3A_3 {strides = array<i32>} : memref<120x512xf32, #tpu.memory_space<vmem>>, vector<16xf32>,
      %swap3A_225 = arith.index_cast %scan3A_195 : i32 to index
      %swap3A_226 = arith.constant 160 : index
      %swap3A_227 = tpu.vector_load %arg5[%swap3A_225, %swap3A_226] {strides = array<i32>} : memref<120x512xf32, #tpu.memory_space<vmem>>, vector<16xf32>,
      tpu.vector_store %arg5[%swap3A_225, %swap3A_226], %broadcast_in_dim3A_3 {strides = array<i32>} : memref<120x512xf32, #tpu.memory_space<vmem>>, vector<16xf32>,
      %swap3A_228 = arith.index_cast %scan3A_195 : i32 to index
      %swap3A_229 = arith.constant 176 : index
      %swap3A_230 = tpu.vector_load %arg5[%swap3A_228, %swap3A_229] {strides = array<i32>} : memref<120x512xf32, #tpu.memory_space<vmem>>, vector<16xf32>,
      tpu.vector_store %arg5[%swap3A_228, %swap3A_229], %broadcast_in_dim3A_3 {strides = array<i32>} : memref<120x512xf32, #tpu.memory_space<vmem>>, vector<16xf32>,
      %swap3A_231 = arith.index_cast %scan3A_195 : i32 to index
      %swap3A_232 = arith.constant 192 : index
      %swap3A_233 = tpu.vector_load %arg5[%swap3A_231, %swap3A_232] {strides = array<i32>} : memref<120x512xf32, #tpu.memory_space<vmem>>, vector<16xf32>,
      tpu.vector_store %arg5[%swap3A_231, %swap3A_232], %broadcast_in_dim3A_3 {strides = array<i32>} : memref<120x512xf32, #tpu.memory_space<vmem>>, vector<16xf32>,
      %swap3A_234 = arith.index_cast %scan3A_195 : i32 to index
      %swap3A_235 = arith.constant 208 : index
      %swap3A_236 = tpu.vector_load %arg5[%swap3A_234, %swap3A_235] {strides = array<i32>} : memref<120x512xf32, #tpu.memory_space<vmem>>, vector<16xf32>,
      tpu.vector_store %arg5[%swap3A_234, %swap3A_235], %broadcast_in_dim3A_3 {strides = array<i32>} : memref<120x512xf32, #tpu.memory_space<vmem>>, vector<16xf32>,
      %swap3A_237 = arith.index_cast %scan3A_195 : i32 to index
      %swap3A_238 = arith.constant 224 : index
      %swap3A_239 = tpu.vector_load %arg5[%swap3A_237, %swap3A_238] {strides = array<i32>} : memref<120x512xf32, #tpu.memory_space<vmem>>, vector<16xf32>,
      tpu.vector_store %arg5[%swap3A_237, %swap3A_238], %broadcast_in_dim3A_3 {strides = array<i32>} : memref<120x512xf32, #tpu.memory_space<vmem>>, vector<16xf32>,
      %swap3A_240 = arith.index_cast %scan3A_195 : i32 to index
      %swap3A_241 = arith.constant 240 : index
      %swap3A_242 = tpu.vector_load %arg5[%swap3A_240, %swap3A_241] {strides = array<i32>} : memref<120x512xf32, #tpu.memory_space<vmem>>, vector<16xf32>,
      tpu.vector_store %arg5[%swap3A_240, %swap3A_241], %broadcast_in_dim3A_3 {strides = array<i32>} : memref<120x512xf32, #tpu.memory_space<vmem>>, vector<16xf32>,
      %swap3A_243 = arith.index_cast %scan3A_195 : i32 to index
      %swap3A_244 = arith.constant 256 : index
      %swap3A_245 = tpu.vector_load %arg5[%swap3A_243, %swap3A_244] {strides = array<i32>} : memref<120x512xf32, #tpu.memory_space<vmem>>, vector<16xf32>,
      tpu.vector_store %arg5[%swap3A_243, %swap3A_244], %broadcast_in_dim3A_3 {strides = array<i32>} : memref<120x512xf32, #tpu.memory_space<vmem>>, vector<16xf32>,
      %swap3A_246 = arith.index_cast %scan3A_195 : i32 to index
      %swap3A_247 = arith.constant 272 : index
      %swap3A_248 = tpu.vector_load %arg5[%swap3A_246, %swap3A_247] {strides = array<i32>} : memref<120x512xf32, #tpu.memory_space<vmem>>, vector<16xf32>,
      tpu.vector_store %arg5[%swap3A_246, %swap3A_247], %broadcast_in_dim3A_3 {strides = array<i32>} : memref<120x512xf32, #tpu.memory_space<vmem>>, vector<16xf32>,
      %swap3A_249 = arith.index_cast %scan3A_195 : i32 to index
      %swap3A_250 = arith.constant 288 : index
      %swap3A_251 = tpu.vector_load %arg5[%swap3A_249, %swap3A_250] {strides = array<i32>} : memref<120x512xf32, #tpu.memory_space<vmem>>, vector<16xf32>,
      tpu.vector_store %arg5[%swap3A_249, %swap3A_250], %broadcast_in_dim3A_3 {strides = array<i32>} : memref<120x512xf32, #tpu.memory_space<vmem>>, vector<16xf32>,
      %swap3A_252 = arith.index_cast %scan3A_195 : i32 to index
      %swap3A_253 = arith.constant 304 : index
      %swap3A_254 = tpu.vector_load %arg5[%swap3A_252, %swap3A_253] {strides = array<i32>} : memref<120x512xf32, #tpu.memory_space<vmem>>, vector<16xf32>,
      tpu.vector_store %arg5[%swap3A_252, %swap3A_253], %broadcast_in_dim3A_3 {strides = array<i32>} : memref<120x512xf32, #tpu.memory_space<vmem>>, vector<16xf32>,
      %swap3A_255 = arith.index_cast %scan3A_195 : i32 to index
      %swap3A_256 = arith.constant 320 : index
      %swap3A_257 = tpu.vector_load %arg5[%swap3A_255, %swap3A_256] {strides = array<i32>} : memref<120x512xf32, #tpu.memory_space<vmem>>, vector<16xf32>,
      tpu.vector_store %arg5[%swap3A_255, %swap3A_256], %broadcast_in_dim3A_3 {strides = array<i32>} : memref<120x512xf32, #tpu.memory_space<vmem>>, vector<16xf32>,
      %swap3A_258 = arith.index_cast %scan3A_195 : i32 to index
      %swap3A_259 = arith.constant 336 : index
      %swap3A_260 = tpu.vector_load %arg5[%swap3A_258, %swap3A_259] {strides = array<i32>} : memref<120x512xf32, #tpu.memory_space<vmem>>, vector<16xf32>,
      tpu.vector_store %arg5[%swap3A_258, %swap3A_259], %broadcast_in_dim3A_3 {strides = array<i32>} : memref<120x512xf32, #tpu.memory_space<vmem>>, vector<16xf32>,
      %swap3A_261 = arith.index_cast %scan3A_195 : i32 to index
      %swap3A_262 = arith.constant 352 : index
      %swap3A_263 = tpu.vector_load %arg5[%swap3A_261, %swap3A_262] {strides = array<i32>} : memref<120x512xf32, #tpu.memory_space<vmem>>, vector<16xf32>,
      tpu.vector_store %arg5[%swap3A_261, %swap3A_262], %broadcast_in_dim3A_3 {strides = array<i32>} : memref<120x512xf32, #tpu.memory_space<vmem>>, vector<16xf32>,
      %swap3A_264 = arith.index_cast %scan3A_195 : i32 to index
      %swap3A_265 = arith.constant 368 : index
      %swap3A_266 = tpu.vector_load %arg5[%swap3A_264, %swap3A_265] {strides = array<i32>} : memref<120x512xf32, #tpu.memory_space<vmem>>, vector<16xf32>,
      tpu.vector_store %arg5[%swap3A_264, %swap3A_265], %broadcast_in_dim3A_3 {strides = array<i32>} : memref<120x512xf32, #tpu.memory_space<vmem>>, vector<16xf32>,
      %swap3A_267 = arith.index_cast %scan3A_195 : i32 to index
      %swap3A_268 = arith.constant 384 : index
      %swap3A_269 = tpu.vector_load %arg5[%swap3A_267, %swap3A_268] {strides = array<i32>} : memref<120x512xf32, #tpu.memory_space<vmem>>, vector<16xf32>,
      tpu.vector_store %arg5[%swap3A_267, %swap3A_268], %broadcast_in_dim3A_3 {strides = array<i32>} : memref<120x512xf32, #tpu.memory_space<vmem>>, vector<16xf32>,
      %swap3A_270 = arith.index_cast %scan3A_195 : i32 to index
      %swap3A_271 = arith.constant 400 : index
      %swap3A_272 = tpu.vector_load %arg5[%swap3A_270, %swap3A_271] {strides = array<i32>} : memref<120x512xf32, #tpu.memory_space<vmem>>, vector<16xf32>,
      tpu.vector_store %arg5[%swap3A_270, %swap3A_271], %broadcast_in_dim3A_3 {strides = array<i32>} : memref<120x512xf32, #tpu.memory_space<vmem>>, vector<16xf32>,
      %swap3A_273 = arith.index_cast %scan3A_195 : i32 to index
      %swap3A_274 = arith.constant 416 : index
      %swap3A_275 = tpu.vector_load %arg5[%swap3A_273, %swap3A_274] {strides = array<i32>} : memref<120x512xf32, #tpu.memory_space<vmem>>, vector<16xf32>,
      tpu.vector_store %arg5[%swap3A_273, %swap3A_274], %broadcast_in_dim3A_3 {strides = array<i32>} : memref<120x512xf32, #tpu.memory_space<vmem>>, vector<16xf32>,
      %swap3A_276 = arith.index_cast %scan3A_195 : i32 to index
      %swap3A_277 = arith.constant 432 : index
      %swap3A_278 = tpu.vector_load %arg5[%swap3A_276, %swap3A_277] {strides = array<i32>} : memref<120x512xf32, #tpu.memory_space<vmem>>, vector<16xf32>,
      tpu.vector_store %arg5[%swap3A_276, %swap3A_277], %broadcast_in_dim3A_3 {strides = array<i32>} : memref<120x512xf32, #tpu.memory_space<vmem>>, vector<16xf32>,
      %swap3A_279 = arith.index_cast %scan3A_195 : i32 to index
      %swap3A_280 = arith.constant 448 : index
      %swap3A_281 = tpu.vector_load %arg5[%swap3A_279, %swap3A_280] {strides = array<i32>} : memref<120x512xf32, #tpu.memory_space<vmem>>, vector<16xf32>,
      tpu.vector_store %arg5[%swap3A_279, %swap3A_280], %broadcast_in_dim3A_3 {strides = array<i32>} : memref<120x512xf32, #tpu.memory_space<vmem>>, vector<16xf32>,
      %swap3A_282 = arith.index_cast %scan3A_195 : i32 to index
      %swap3A_283 = arith.constant 464 : index
      %swap3A_284 = tpu.vector_load %arg5[%swap3A_282, %swap3A_283] {strides = array<i32>} : memref<120x512xf32, #tpu.memory_space<vmem>>, vector<16xf32>,
      tpu.vector_store %arg5[%swap3A_282, %swap3A_283], %broadcast_in_dim3A_3 {strides = array<i32>} : memref<120x512xf32, #tpu.memory_space<vmem>>, vector<16xf32>,
      %swap3A_285 = arith.index_cast %scan3A_195 : i32 to index
      %swap3A_286 = arith.constant 480 : index
      %swap3A_287 = tpu.vector_load %arg5[%swap3A_285, %swap3A_286] {strides = array<i32>} : memref<120x512xf32, #tpu.memory_space<vmem>>, vector<16xf32>,
      tpu.vector_store %arg5[%swap3A_285, %swap3A_286], %broadcast_in_dim3A_3 {strides = array<i32>} : memref<120x512xf32, #tpu.memory_space<vmem>>, vector<16xf32>,
      %swap3A_288 = arith.index_cast %scan3A_195 : i32 to index
      %swap3A_289 = arith.constant 496 : index
      %swap3A_290 = tpu.vector_load %arg5[%swap3A_288, %swap3A_289] {strides = array<i32>} : memref<120x512xf32, #tpu.memory_space<vmem>>, vector<16xf32>,
      tpu.vector_store %arg5[%swap3A_288, %swap3A_289], %broadcast_in_dim3A_3 {strides = array<i32>} : memref<120x512xf32, #tpu.memory_space<vmem>>, vector<16xf32>,
    }
    %scan3A_10 = arith.constant 120 : i32
    %scan3A_11 = arith.constant 0 : i32
    %scan3A_12 = arith.constant 0 : i32
    %scan3A_13 = arith.constant 32 : i32
    %scan3A_14 = arith.addi %scan3A_12, %scan3A_13 : i32
    %scan3A_15 = arith.constant 1 : i32
    scf.for %scan3A_195 = %scan3A_12 to %scan3A_14 step %scan3A_15  : i32 {
      %mul3A_196 = arith.constant 16 : i32
      %mul3A_197 = arith.muli %scan3A_195, %mul3A_196 : i32
      %get3A = arith.index_cast %mul3A_197 : i32 to index
      %get3A_198 = tpu.vector_load %arg4[%get3A] {strides = array<i32>} : memref<512xi32, #tpu.memory_space<vmem>>, vector<16xi32>,
      %ge3A = arith.constant 0 : i32
      %ge3A_199 = vector.broadcast %ge3A : i32 to vector<16xi32>
      %ge3A_200 = arith.cmpi sge, %get3A_198, %ge3A_199 : vector<16xi32>
      %lt3A = arith.constant 120 : i32
      %lt3A_201 = vector.broadcast %lt3A : i32 to vector<16xi32>
      %lt3A_202 = arith.cmpi slt, %get3A_198, %lt3A_201 : vector<16xi32>
      %and3A = arith.andi %ge3A_200, %lt3A_202 : vector<16xi1>
      %sub3A = arith.constant 0 : i32
      %sub3A_203 = vector.broadcast %sub3A : i32 to vector<16xi32>
      %sub3A_204 = arith.subi %get3A_198, %sub3A_203 : vector<16xi32>
      %jit3A = arith.constant 0 : i32
      %broadcast_in_dim3A_205 = vector.broadcast %jit3A : i32 to vector<16xi32>
      %select_n3A = arith.select %and3A, %sub3A_204, %broadcast_in_dim3A_205 : vector<16xi1>, vector<16xi32>
      %mul3A_206 = arith.constant 16 : i32
      %mul3A_207 = arith.muli %scan3A_195, %mul3A_206 : i32
      %add3A_208 = vector.broadcast %mul3A_207 : i32 to vector<16xi32>
      %add3A_209 = arith.addi %iota3A, %add3A_208 : vector<16xi32>
      tpu.vector_store_idx %arg5[%select_n3A, %add3A_209], %broadcast_in_dim3A_5 masked %and3A : memref<120x512xf32, #tpu.memory_space<vmem>>[vector<16xi32>, vector<16xi32>], vector<16xf32>, vector<16xi1>
    }
    %scan3A_16 = arith.constant 32 : i32
    %dma_start3A = arith.constant 0 : i32
    %dma_start3A_17 = tpu.memref_slice %arg3[%dma_start3A, %mul3A_2] : memref<1000x16384xf32, #tpu.memory_space<hbm>> -> memref<120x512xf32, #tpu.memory_space<hbm>>
    %dma_start3A_18 = arith.constant 0 : i32
    %dma_start3A_19 = tpu.memref_slice %arg3[%dma_start3A_18, %mul3A_2] : memref<1000x16384xf32, #tpu.memory_space<hbm>> -> memref<120x512xf32, #tpu.memory_space<hbm>>
    tpu.enqueue_dma source(%arg5 : memref<120x512xf32, #tpu.memory_space<vmem>>) target(%dma_start3A_19 : memref<120x512xf32, #tpu.memory_space<hbm>>) target_semaphore(%arg7 : memref<!tpu.dma_semaphore, #tpu.memory_space<semaphore_mem>>)
    %scan3A_20 = arith.constant 0 : i32
    %scan3A_21 = arith.constant 0 : i32
    %scan3A_22 = arith.constant 120 : i32
    %scan3A_23 = arith.addi %scan3A_21, %scan3A_22 : i32
    %scan3A_24 = arith.constant 1 : i32
    scf.for %scan3A_195 = %scan3A_21 to %scan3A_23 step %scan3A_24  : i32 {
      %swap3A = arith.index_cast %scan3A_195 : i32 to index
      %swap3A_196 = arith.constant 0 : index
      %swap3A_197 = tpu.vector_load %arg6[%swap3A, %swap3A_196] {strides = array<i32>} : memref<120x512xf32, #tpu.memory_space<vmem>>, vector<16xf32>,
      tpu.vector_store %arg6[%swap3A, %swap3A_196], %broadcast_in_dim3A_3 {strides = array<i32>} : memref<120x512xf32, #tpu.memory_space<vmem>>, vector<16xf32>,
      %swap3A_198 = arith.index_cast %scan3A_195 : i32 to index
      %swap3A_199 = arith.constant 16 : index
      %swap3A_200 = tpu.vector_load %arg6[%swap3A_198, %swap3A_199] {strides = array<i32>} : memref<120x512xf32, #tpu.memory_space<vmem>>, vector<16xf32>,
      tpu.vector_store %arg6[%swap3A_198, %swap3A_199], %broadcast_in_dim3A_3 {strides = array<i32>} : memref<120x512xf32, #tpu.memory_space<vmem>>, vector<16xf32>,
      %swap3A_201 = arith.index_cast %scan3A_195 : i32 to index
      %swap3A_202 = arith.constant 32 : index
      %swap3A_203 = tpu.vector_load %arg6[%swap3A_201, %swap3A_202] {strides = array<i32>} : memref<120x512xf32, #tpu.memory_space<vmem>>, vector<16xf32>,
      tpu.vector_store %arg6[%swap3A_201, %swap3A_202], %broadcast_in_dim3A_3 {strides = array<i32>} : memref<120x512xf32, #tpu.memory_space<vmem>>, vector<16xf32>,
      %swap3A_204 = arith.index_cast %scan3A_195 : i32 to index
      %swap3A_205 = arith.constant 48 : index
      %swap3A_206 = tpu.vector_load %arg6[%swap3A_204, %swap3A_205] {strides = array<i32>} : memref<120x512xf32, #tpu.memory_space<vmem>>, vector<16xf32>,
      tpu.vector_store %arg6[%swap3A_204, %swap3A_205], %broadcast_in_dim3A_3 {strides = array<i32>} : memref<120x512xf32, #tpu.memory_space<vmem>>, vector<16xf32>,
      %swap3A_207 = arith.index_cast %scan3A_195 : i32 to index
      %swap3A_208 = arith.constant 64 : index
      %swap3A_209 = tpu.vector_load %arg6[%swap3A_207, %swap3A_208] {strides = array<i32>} : memref<120x512xf32, #tpu.memory_space<vmem>>, vector<16xf32>,
      tpu.vector_store %arg6[%swap3A_207, %swap3A_208], %broadcast_in_dim3A_3 {strides = array<i32>} : memref<120x512xf32, #tpu.memory_space<vmem>>, vector<16xf32>,
      %swap3A_210 = arith.index_cast %scan3A_195 : i32 to index
      %swap3A_211 = arith.constant 80 : index
      %swap3A_212 = tpu.vector_load %arg6[%swap3A_210, %swap3A_211] {strides = array<i32>} : memref<120x512xf32, #tpu.memory_space<vmem>>, vector<16xf32>,
      tpu.vector_store %arg6[%swap3A_210, %swap3A_211], %broadcast_in_dim3A_3 {strides = array<i32>} : memref<120x512xf32, #tpu.memory_space<vmem>>, vector<16xf32>,
      %swap3A_213 = arith.index_cast %scan3A_195 : i32 to index
      %swap3A_214 = arith.constant 96 : index
      %swap3A_215 = tpu.vector_load %arg6[%swap3A_213, %swap3A_214] {strides = array<i32>} : memref<120x512xf32, #tpu.memory_space<vmem>>, vector<16xf32>,
      tpu.vector_store %arg6[%swap3A_213, %swap3A_214], %broadcast_in_dim3A_3 {strides = array<i32>} : memref<120x512xf32, #tpu.memory_space<vmem>>, vector<16xf32>,
      %swap3A_216 = arith.index_cast %scan3A_195 : i32 to index
      %swap3A_217 = arith.constant 112 : index
      %swap3A_218 = tpu.vector_load %arg6[%swap3A_216, %swap3A_217] {strides = array<i32>} : memref<120x512xf32, #tpu.memory_space<vmem>>, vector<16xf32>,
      tpu.vector_store %arg6[%swap3A_216, %swap3A_217], %broadcast_in_dim3A_3 {strides = array<i32>} : memref<120x512xf32, #tpu.memory_space<vmem>>, vector<16xf32>,
      %swap3A_219 = arith.index_cast %scan3A_195 : i32 to index
      %swap3A_220 = arith.constant 128 : index
      %swap3A_221 = tpu.vector_load %arg6[%swap3A_219, %swap3A_220] {strides = array<i32>} : memref<120x512xf32, #tpu.memory_space<vmem>>, vector<16xf32>,
      tpu.vector_store %arg6[%swap3A_219, %swap3A_220], %broadcast_in_dim3A_3 {strides = array<i32>} : memref<120x512xf32, #tpu.memory_space<vmem>>, vector<16xf32>,
      %swap3A_222 = arith.index_cast %scan3A_195 : i32 to index
      %swap3A_223 = arith.constant 144 : index
      %swap3A_224 = tpu.vector_load %arg6[%swap3A_222, %swap3A_223] {strides = array<i32>} : memref<120x512xf32, #tpu.memory_space<vmem>>, vector<16xf32>,
      tpu.vector_store %arg6[%swap3A_222, %swap3A_223], %broadcast_in_dim3A_3 {strides = array<i32>} : memref<120x512xf32, #tpu.memory_space<vmem>>, vector<16xf32>,
      %swap3A_225 = arith.index_cast %scan3A_195 : i32 to index
      %swap3A_226 = arith.constant 160 : index
      %swap3A_227 = tpu.vector_load %arg6[%swap3A_225, %swap3A_226] {strides = array<i32>} : memref<120x512xf32, #tpu.memory_space<vmem>>, vector<16xf32>,
      tpu.vector_store %arg6[%swap3A_225, %swap3A_226], %broadcast_in_dim3A_3 {strides = array<i32>} : memref<120x512xf32, #tpu.memory_space<vmem>>, vector<16xf32>,
      %swap3A_228 = arith.index_cast %scan3A_195 : i32 to index
      %swap3A_229 = arith.constant 176 : index
      %swap3A_230 = tpu.vector_load %arg6[%swap3A_228, %swap3A_229] {strides = array<i32>} : memref<120x512xf32, #tpu.memory_space<vmem>>, vector<16xf32>,
      tpu.vector_store %arg6[%swap3A_228, %swap3A_229], %broadcast_in_dim3A_3 {strides = array<i32>} : memref<120x512xf32, #tpu.memory_space<vmem>>, vector<16xf32>,
      %swap3A_231 = arith.index_cast %scan3A_195 : i32 to index
      %swap3A_232 = arith.constant 192 : index
      %swap3A_233 = tpu.vector_load %arg6[%swap3A_231, %swap3A_232] {strides = array<i32>} : memref<120x512xf32, #tpu.memory_space<vmem>>, vector<16xf32>,
      tpu.vector_store %arg6[%swap3A_231, %swap3A_232], %broadcast_in_dim3A_3 {strides = array<i32>} : memref<120x512xf32, #tpu.memory_space<vmem>>, vector<16xf32>,
      %swap3A_234 = arith.index_cast %scan3A_195 : i32 to index
      %swap3A_235 = arith.constant 208 : index
      %swap3A_236 = tpu.vector_load %arg6[%swap3A_234, %swap3A_235] {strides = array<i32>} : memref<120x512xf32, #tpu.memory_space<vmem>>, vector<16xf32>,
      tpu.vector_store %arg6[%swap3A_234, %swap3A_235], %broadcast_in_dim3A_3 {strides = array<i32>} : memref<120x512xf32, #tpu.memory_space<vmem>>, vector<16xf32>,
      %swap3A_237 = arith.index_cast %scan3A_195 : i32 to index
      %swap3A_238 = arith.constant 224 : index
      %swap3A_239 = tpu.vector_load %arg6[%swap3A_237, %swap3A_238] {strides = array<i32>} : memref<120x512xf32, #tpu.memory_space<vmem>>, vector<16xf32>,
      tpu.vector_store %arg6[%swap3A_237, %swap3A_238], %broadcast_in_dim3A_3 {strides = array<i32>} : memref<120x512xf32, #tpu.memory_space<vmem>>, vector<16xf32>,
      %swap3A_240 = arith.index_cast %scan3A_195 : i32 to index
      %swap3A_241 = arith.constant 240 : index
      %swap3A_242 = tpu.vector_load %arg6[%swap3A_240, %swap3A_241] {strides = array<i32>} : memref<120x512xf32, #tpu.memory_space<vmem>>, vector<16xf32>,
      tpu.vector_store %arg6[%swap3A_240, %swap3A_241], %broadcast_in_dim3A_3 {strides = array<i32>} : memref<120x512xf32, #tpu.memory_space<vmem>>, vector<16xf32>,
      %swap3A_243 = arith.index_cast %scan3A_195 : i32 to index
      %swap3A_244 = arith.constant 256 : index
      %swap3A_245 = tpu.vector_load %arg6[%swap3A_243, %swap3A_244] {strides = array<i32>} : memref<120x512xf32, #tpu.memory_space<vmem>>, vector<16xf32>,
      tpu.vector_store %arg6[%swap3A_243, %swap3A_244], %broadcast_in_dim3A_3 {strides = array<i32>} : memref<120x512xf32, #tpu.memory_space<vmem>>, vector<16xf32>,
      %swap3A_246 = arith.index_cast %scan3A_195 : i32 to index
      %swap3A_247 = arith.constant 272 : index
      %swap3A_248 = tpu.vector_load %arg6[%swap3A_246, %swap3A_247] {strides = array<i32>} : memref<120x512xf32, #tpu.memory_space<vmem>>, vector<16xf32>,
      tpu.vector_store %arg6[%swap3A_246, %swap3A_247], %broadcast_in_dim3A_3 {strides = array<i32>} : memref<120x512xf32, #tpu.memory_space<vmem>>, vector<16xf32>,
      %swap3A_249 = arith.index_cast %scan3A_195 : i32 to index
      %swap3A_250 = arith.constant 288 : index
      %swap3A_251 = tpu.vector_load %arg6[%swap3A_249, %swap3A_250] {strides = array<i32>} : memref<120x512xf32, #tpu.memory_space<vmem>>, vector<16xf32>,
      tpu.vector_store %arg6[%swap3A_249, %swap3A_250], %broadcast_in_dim3A_3 {strides = array<i32>} : memref<120x512xf32, #tpu.memory_space<vmem>>, vector<16xf32>,
      %swap3A_252 = arith.index_cast %scan3A_195 : i32 to index
      %swap3A_253 = arith.constant 304 : index
      %swap3A_254 = tpu.vector_load %arg6[%swap3A_252, %swap3A_253] {strides = array<i32>} : memref<120x512xf32, #tpu.memory_space<vmem>>, vector<16xf32>,
      tpu.vector_store %arg6[%swap3A_252, %swap3A_253], %broadcast_in_dim3A_3 {strides = array<i32>} : memref<120x512xf32, #tpu.memory_space<vmem>>, vector<16xf32>,
      %swap3A_255 = arith.index_cast %scan3A_195 : i32 to index
      %swap3A_256 = arith.constant 320 : index
      %swap3A_257 = tpu.vector_load %arg6[%swap3A_255, %swap3A_256] {strides = array<i32>} : memref<120x512xf32, #tpu.memory_space<vmem>>, vector<16xf32>,
      tpu.vector_store %arg6[%swap3A_255, %swap3A_256], %broadcast_in_dim3A_3 {strides = array<i32>} : memref<120x512xf32, #tpu.memory_space<vmem>>, vector<16xf32>,
      %swap3A_258 = arith.index_cast %scan3A_195 : i32 to index
      %swap3A_259 = arith.constant 336 : index
      %swap3A_260 = tpu.vector_load %arg6[%swap3A_258, %swap3A_259] {strides = array<i32>} : memref<120x512xf32, #tpu.memory_space<vmem>>, vector<16xf32>,
      tpu.vector_store %arg6[%swap3A_258, %swap3A_259], %broadcast_in_dim3A_3 {strides = array<i32>} : memref<120x512xf32, #tpu.memory_space<vmem>>, vector<16xf32>,
      %swap3A_261 = arith.index_cast %scan3A_195 : i32 to index
      %swap3A_262 = arith.constant 352 : index
      %swap3A_263 = tpu.vector_load %arg6[%swap3A_261, %swap3A_262] {strides = array<i32>} : memref<120x512xf32, #tpu.memory_space<vmem>>, vector<16xf32>,
      tpu.vector_store %arg6[%swap3A_261, %swap3A_262], %broadcast_in_dim3A_3 {strides = array<i32>} : memref<120x512xf32, #tpu.memory_space<vmem>>, vector<16xf32>,
      %swap3A_264 = arith.index_cast %scan3A_195 : i32 to index
      %swap3A_265 = arith.constant 368 : index
      %swap3A_266 = tpu.vector_load %arg6[%swap3A_264, %swap3A_265] {strides = array<i32>} : memref<120x512xf32, #tpu.memory_space<vmem>>, vector<16xf32>,
      tpu.vector_store %arg6[%swap3A_264, %swap3A_265], %broadcast_in_dim3A_3 {strides = array<i32>} : memref<120x512xf32, #tpu.memory_space<vmem>>, vector<16xf32>,
      %swap3A_267 = arith.index_cast %scan3A_195 : i32 to index
      %swap3A_268 = arith.constant 384 : index
      %swap3A_269 = tpu.vector_load %arg6[%swap3A_267, %swap3A_268] {strides = array<i32>} : memref<120x512xf32, #tpu.memory_space<vmem>>, vector<16xf32>,
      tpu.vector_store %arg6[%swap3A_267, %swap3A_268], %broadcast_in_dim3A_3 {strides = array<i32>} : memref<120x512xf32, #tpu.memory_space<vmem>>, vector<16xf32>,
      %swap3A_270 = arith.index_cast %scan3A_195 : i32 to index
      %swap3A_271 = arith.constant 400 : index
      %swap3A_272 = tpu.vector_load %arg6[%swap3A_270, %swap3A_271] {strides = array<i32>} : memref<120x512xf32, #tpu.memory_space<vmem>>, vector<16xf32>,
      tpu.vector_store %arg6[%swap3A_270, %swap3A_271], %broadcast_in_dim3A_3 {strides = array<i32>} : memref<120x512xf32, #tpu.memory_space<vmem>>, vector<16xf32>,
      %swap3A_273 = arith.index_cast %scan3A_195 : i32 to index
      %swap3A_274 = arith.constant 416 : index
      %swap3A_275 = tpu.vector_load %arg6[%swap3A_273, %swap3A_274] {strides = array<i32>} : memref<120x512xf32, #tpu.memory_space<vmem>>, vector<16xf32>,
      tpu.vector_store %arg6[%swap3A_273, %swap3A_274], %broadcast_in_dim3A_3 {strides = array<i32>} : memref<120x512xf32, #tpu.memory_space<vmem>>, vector<16xf32>,
      %swap3A_276 = arith.index_cast %scan3A_195 : i32 to index
      %swap3A_277 = arith.constant 432 : index
      %swap3A_278 = tpu.vector_load %arg6[%swap3A_276, %swap3A_277] {strides = array<i32>} : memref<120x512xf32, #tpu.memory_space<vmem>>, vector<16xf32>,
      tpu.vector_store %arg6[%swap3A_276, %swap3A_277], %broadcast_in_dim3A_3 {strides = array<i32>} : memref<120x512xf32, #tpu.memory_space<vmem>>, vector<16xf32>,
      %swap3A_279 = arith.index_cast %scan3A_195 : i32 to index
      %swap3A_280 = arith.constant 448 : index
      %swap3A_281 = tpu.vector_load %arg6[%swap3A_279, %swap3A_280] {strides = array<i32>} : memref<120x512xf32, #tpu.memory_space<vmem>>, vector<16xf32>,
      tpu.vector_store %arg6[%swap3A_279, %swap3A_280], %broadcast_in_dim3A_3 {strides = array<i32>} : memref<120x512xf32, #tpu.memory_space<vmem>>, vector<16xf32>,
      %swap3A_282 = arith.index_cast %scan3A_195 : i32 to index
      %swap3A_283 = arith.constant 464 : index
      %swap3A_284 = tpu.vector_load %arg6[%swap3A_282, %swap3A_283] {strides = array<i32>} : memref<120x512xf32, #tpu.memory_space<vmem>>, vector<16xf32>,
      tpu.vector_store %arg6[%swap3A_282, %swap3A_283], %broadcast_in_dim3A_3 {strides = array<i32>} : memref<120x512xf32, #tpu.memory_space<vmem>>, vector<16xf32>,
      %swap3A_285 = arith.index_cast %scan3A_195 : i32 to index
      %swap3A_286 = arith.constant 480 : index
      %swap3A_287 = tpu.vector_load %arg6[%swap3A_285, %swap3A_286] {strides = array<i32>} : memref<120x512xf32, #tpu.memory_space<vmem>>, vector<16xf32>,
      tpu.vector_store %arg6[%swap3A_285, %swap3A_286], %broadcast_in_dim3A_3 {strides = array<i32>} : memref<120x512xf32, #tpu.memory_space<vmem>>, vector<16xf32>,
      %swap3A_288 = arith.index_cast %scan3A_195 : i32 to index
      %swap3A_289 = arith.constant 496 : index
      %swap3A_290 = tpu.vector_load %arg6[%swap3A_288, %swap3A_289] {strides = array<i32>} : memref<120x512xf32, #tpu.memory_space<vmem>>, vector<16xf32>,
      tpu.vector_store %arg6[%swap3A_288, %swap3A_289], %broadcast_in_dim3A_3 {strides = array<i32>} : memref<120x512xf32, #tpu.memory_space<vmem>>, vector<16xf32>,
    }
    %scan3A_25 = arith.constant 120 : i32
    %scan3A_26 = arith.constant 0 : i32
    %scan3A_27 = arith.constant 0 : i32
    %scan3A_28 = arith.constant 32 : i32
    %scan3A_29 = arith.addi %scan3A_27, %scan3A_28 : i32
    %scan3A_30 = arith.constant 1 : i32
    scf.for %scan3A_195 = %scan3A_27 to %scan3A_29 step %scan3A_30  : i32 {
      %mul3A_196 = arith.constant 16 : i32
      %mul3A_197 = arith.muli %scan3A_195, %mul3A_196 : i32
      %get3A = arith.index_cast %mul3A_197 : i32 to index
      %get3A_198 = tpu.vector_load %arg4[%get3A] {strides = array<i32>} : memref<512xi32, #tpu.memory_space<vmem>>, vector<16xi32>,
      %ge3A = arith.constant 120 : i32
      %ge3A_199 = vector.broadcast %ge3A : i32 to vector<16xi32>
      %ge3A_200 = arith.cmpi sge, %get3A_198, %ge3A_199 : vector<16xi32>
      %lt3A = arith.constant 240 : i32
      %lt3A_201 = vector.broadcast %lt3A : i32 to vector<16xi32>
      %lt3A_202 = arith.cmpi slt, %get3A_198, %lt3A_201 : vector<16xi32>
      %and3A = arith.andi %ge3A_200, %lt3A_202 : vector<16xi1>
      %sub3A = arith.constant 120 : i32
      %sub3A_203 = vector.broadcast %sub3A : i32 to vector<16xi32>
      %sub3A_204 = arith.subi %get3A_198, %sub3A_203 : vector<16xi32>
      %jit3A = arith.constant 0 : i32
      %broadcast_in_dim3A_205 = vector.broadcast %jit3A : i32 to vector<16xi32>
      %select_n3A = arith.select %and3A, %sub3A_204, %broadcast_in_dim3A_205 : vector<16xi1>, vector<16xi32>
      %mul3A_206 = arith.constant 16 : i32
      %mul3A_207 = arith.muli %scan3A_195, %mul3A_206 : i32
      %add3A_208 = vector.broadcast %mul3A_207 : i32 to vector<16xi32>
      %add3A_209 = arith.addi %iota3A, %add3A_208 : vector<16xi32>
      tpu.vector_store_idx %arg6[%select_n3A, %add3A_209], %broadcast_in_dim3A_5 masked %and3A : memref<120x512xf32, #tpu.memory_space<vmem>>[vector<16xi32>, vector<16xi32>], vector<16xf32>, vector<16xi1>
    }
    %scan3A_31 = arith.constant 32 : i32
    %dma_start3A_32 = arith.constant 120 : i32
    %dma_start3A_33 = tpu.memref_slice %arg3[%dma_start3A_32, %mul3A_2] : memref<1000x16384xf32, #tpu.memory_space<hbm>> -> memref<120x512xf32, #tpu.memory_space<hbm>>
    %dma_start3A_34 = arith.constant 120 : i32
    %dma_start3A_35 = tpu.memref_slice %arg3[%dma_start3A_34, %mul3A_2] : memref<1000x16384xf32, #tpu.memory_space<hbm>> -> memref<120x512xf32, #tpu.memory_space<hbm>>
    tpu.enqueue_dma source(%arg6 : memref<120x512xf32, #tpu.memory_space<vmem>>) target(%dma_start3A_35 : memref<120x512xf32, #tpu.memory_space<hbm>>) target_semaphore(%arg8 : memref<!tpu.dma_semaphore, #tpu.memory_space<semaphore_mem>>)
    %dma_wait3A = arith.constant 0 : i32
    %dma_wait3A_36 = tpu.memref_slice %arg3[%dma_wait3A, %mul3A_2] : memref<1000x16384xf32, #tpu.memory_space<hbm>> -> memref<120x512xf32, #tpu.memory_space<hbm>>
    %dma_wait3A_37 = arith.constant 0 : i32
    %dma_wait3A_38 = tpu.memref_slice %arg3[%dma_wait3A_37, %mul3A_2] : memref<1000x16384xf32, #tpu.memory_space<hbm>> -> memref<120x512xf32, #tpu.memory_space<hbm>>
    tpu.wait_dma2 semaphore(%arg7 : memref<!tpu.dma_semaphore, #tpu.memory_space<semaphore_mem>>) src(%arg5 : memref<120x512xf32, #tpu.memory_space<vmem>>) dst(%dma_wait3A_38 : memref<120x512xf32, #tpu.memory_space<hbm>>)
    %scan3A_39 = arith.constant 0 : i32
    %scan3A_40 = arith.constant 0 : i32
    %scan3A_41 = arith.constant 32 : i32
    %scan3A_42 = arith.addi %scan3A_40, %scan3A_41 : i32
    %scan3A_43 = arith.constant 1 : i32
    scf.for %scan3A_195 = %scan3A_40 to %scan3A_42 step %scan3A_43  : i32 {
      %mul3A_196 = arith.constant 16 : i32
      %mul3A_197 = arith.muli %scan3A_195, %mul3A_196 : i32
      %get3A = arith.index_cast %mul3A_197 : i32 to index
      %get3A_198 = tpu.vector_load %arg4[%get3A] {strides = array<i32>} : memref<512xi32, #tpu.memory_space<vmem>>, vector<16xi32>,
      %ge3A = arith.constant 0 : i32
      %ge3A_199 = vector.broadcast %ge3A : i32 to vector<16xi32>
      %ge3A_200 = arith.cmpi sge, %get3A_198, %ge3A_199 : vector<16xi32>
      %lt3A = arith.constant 120 : i32
      %lt3A_201 = vector.broadcast %lt3A : i32 to vector<16xi32>
      %lt3A_202 = arith.cmpi slt, %get3A_198, %lt3A_201 : vector<16xi32>
      %and3A = arith.andi %ge3A_200, %lt3A_202 : vector<16xi1>
      %sub3A = arith.constant 0 : i32
      %sub3A_203 = vector.broadcast %sub3A : i32 to vector<16xi32>
      %sub3A_204 = arith.subi %get3A_198, %sub3A_203 : vector<16xi32>
      %jit3A = arith.constant 0 : i32
      %broadcast_in_dim3A_205 = vector.broadcast %jit3A : i32 to vector<16xi32>
      %select_n3A = arith.select %and3A, %sub3A_204, %broadcast_in_dim3A_205 : vector<16xi1>, vector<16xi32>
      %mul3A_206 = arith.constant 16 : i32
      %mul3A_207 = arith.muli %scan3A_195, %mul3A_206 : i32
      %add3A_208 = vector.broadcast %mul3A_207 : i32 to vector<16xi32>
      %add3A_209 = arith.addi %iota3A, %add3A_208 : vector<16xi32>
      tpu.vector_store_idx %arg5[%select_n3A, %add3A_209], %broadcast_in_dim3A_3 masked %and3A : memref<120x512xf32, #tpu.memory_space<vmem>>[vector<16xi32>, vector<16xi32>], vector<16xf32>, vector<16xi1>
    }
    %scan3A_44 = arith.constant 32 : i32
    %scan3A_45 = arith.constant 0 : i32
    %scan3A_46 = arith.constant 0 : i32
    %scan3A_47 = arith.constant 32 : i32
    %scan3A_48 = arith.addi %scan3A_46, %scan3A_47 : i32
    %scan3A_49 = arith.constant 1 : i32
    scf.for %scan3A_195 = %scan3A_46 to %scan3A_48 step %scan3A_49  : i32 {
      %mul3A_196 = arith.constant 16 : i32
      %mul3A_197 = arith.muli %scan3A_195, %mul3A_196 : i32
      %get3A = arith.index_cast %mul3A_197 : i32 to index
      %get3A_198 = tpu.vector_load %arg4[%get3A] {strides = array<i32>} : memref<512xi32, #tpu.memory_space<vmem>>, vector<16xi32>,
      %ge3A = arith.constant 240 : i32
      %ge3A_199 = vector.broadcast %ge3A : i32 to vector<16xi32>
      %ge3A_200 = arith.cmpi sge, %get3A_198, %ge3A_199 : vector<16xi32>
      %lt3A = arith.constant 360 : i32
      %lt3A_201 = vector.broadcast %lt3A : i32 to vector<16xi32>
      %lt3A_202 = arith.cmpi slt, %get3A_198, %lt3A_201 : vector<16xi32>
      %and3A = arith.andi %ge3A_200, %lt3A_202 : vector<16xi1>
      %sub3A = arith.constant 240 : i32
      %sub3A_203 = vector.broadcast %sub3A : i32 to vector<16xi32>
      %sub3A_204 = arith.subi %get3A_198, %sub3A_203 : vector<16xi32>
      %jit3A = arith.constant 0 : i32
      %broadcast_in_dim3A_205 = vector.broadcast %jit3A : i32 to vector<16xi32>
      %select_n3A = arith.select %and3A, %sub3A_204, %broadcast_in_dim3A_205 : vector<16xi1>, vector<16xi32>
      %mul3A_206 = arith.constant 16 : i32
      %mul3A_207 = arith.muli %scan3A_195, %mul3A_206 : i32
      %add3A_208 = vector.broadcast %mul3A_207 : i32 to vector<16xi32>
      %add3A_209 = arith.addi %iota3A, %add3A_208 : vector<16xi32>
      tpu.vector_store_idx %arg5[%select_n3A, %add3A_209], %broadcast_in_dim3A_5 masked %and3A : memref<120x512xf32, #tpu.memory_space<vmem>>[vector<16xi32>, vector<16xi32>], vector<16xf32>, vector<16xi1>
    }
    %scan3A_50 = arith.constant 32 : i32
    %dma_start3A_51 = arith.constant 240 : i32
    %dma_start3A_52 = tpu.memref_slice %arg3[%dma_start3A_51, %mul3A_2] : memref<1000x16384xf32, #tpu.memory_space<hbm>> -> memref<120x512xf32, #tpu.memory_space<hbm>>
    %dma_start3A_53 = arith.constant 240 : i32
    %dma_start3A_54 = tpu.memref_slice %arg3[%dma_start3A_53, %mul3A_2] : memref<1000x16384xf32, #tpu.memory_space<hbm>> -> memref<120x512xf32, #tpu.memory_space<hbm>>
    tpu.enqueue_dma source(%arg5 : memref<120x512xf32, #tpu.memory_space<vmem>>) target(%dma_start3A_54 : memref<120x512xf32, #tpu.memory_space<hbm>>) target_semaphore(%arg7 : memref<!tpu.dma_semaphore, #tpu.memory_space<semaphore_mem>>)
    %dma_wait3A_55 = arith.constant 120 : i32
    %dma_wait3A_56 = tpu.memref_slice %arg3[%dma_wait3A_55, %mul3A_2] : memref<1000x16384xf32, #tpu.memory_space<hbm>> -> memref<120x512xf32, #tpu.memory_space<hbm>>
    %dma_wait3A_57 = arith.constant 120 : i32
    %dma_wait3A_58 = tpu.memref_slice %arg3[%dma_wait3A_57, %mul3A_2] : memref<1000x16384xf32, #tpu.memory_space<hbm>> -> memref<120x512xf32, #tpu.memory_space<hbm>>
    tpu.wait_dma2 semaphore(%arg8 : memref<!tpu.dma_semaphore, #tpu.memory_space<semaphore_mem>>) src(%arg6 : memref<120x512xf32, #tpu.memory_space<vmem>>) dst(%dma_wait3A_58 : memref<120x512xf32, #tpu.memory_space<hbm>>)
    %scan3A_59 = arith.constant 0 : i32
    %scan3A_60 = arith.constant 0 : i32
    %scan3A_61 = arith.constant 32 : i32
    %scan3A_62 = arith.addi %scan3A_60, %scan3A_61 : i32
    %scan3A_63 = arith.constant 1 : i32
    scf.for %scan3A_195 = %scan3A_60 to %scan3A_62 step %scan3A_63  : i32 {
      %mul3A_196 = arith.constant 16 : i32
      %mul3A_197 = arith.muli %scan3A_195, %mul3A_196 : i32
      %get3A = arith.index_cast %mul3A_197 : i32 to index
      %get3A_198 = tpu.vector_load %arg4[%get3A] {strides = array<i32>} : memref<512xi32, #tpu.memory_space<vmem>>, vector<16xi32>,
      %ge3A = arith.constant 120 : i32
      %ge3A_199 = vector.broadcast %ge3A : i32 to vector<16xi32>
      %ge3A_200 = arith.cmpi sge, %get3A_198, %ge3A_199 : vector<16xi32>
      %lt3A = arith.constant 240 : i32
      %lt3A_201 = vector.broadcast %lt3A : i32 to vector<16xi32>
      %lt3A_202 = arith.cmpi slt, %get3A_198, %lt3A_201 : vector<16xi32>
      %and3A = arith.andi %ge3A_200, %lt3A_202 : vector<16xi1>
      %sub3A = arith.constant 120 : i32
      %sub3A_203 = vector.broadcast %sub3A : i32 to vector<16xi32>
      %sub3A_204 = arith.subi %get3A_198, %sub3A_203 : vector<16xi32>
      %jit3A = arith.constant 0 : i32
      %broadcast_in_dim3A_205 = vector.broadcast %jit3A : i32 to vector<16xi32>
      %select_n3A = arith.select %and3A, %sub3A_204, %broadcast_in_dim3A_205 : vector<16xi1>, vector<16xi32>
      %mul3A_206 = arith.constant 16 : i32
      %mul3A_207 = arith.muli %scan3A_195, %mul3A_206 : i32
      %add3A_208 = vector.broadcast %mul3A_207 : i32 to vector<16xi32>
      %add3A_209 = arith.addi %iota3A, %add3A_208 : vector<16xi32>
      tpu.vector_store_idx %arg6[%select_n3A, %add3A_209], %broadcast_in_dim3A_3 masked %and3A : memref<120x512xf32, #tpu.memory_space<vmem>>[vector<16xi32>, vector<16xi32>], vector<16xf32>, vector<16xi1>
    }
    %scan3A_64 = arith.constant 32 : i32
    %scan3A_65 = arith.constant 0 : i32
    %scan3A_66 = arith.constant 0 : i32
    %scan3A_67 = arith.constant 32 : i32
    %scan3A_68 = arith.addi %scan3A_66, %scan3A_67 : i32
    %scan3A_69 = arith.constant 1 : i32
    scf.for %scan3A_195 = %scan3A_66 to %scan3A_68 step %scan3A_69  : i32 {
      %mul3A_196 = arith.constant 16 : i32
      %mul3A_197 = arith.muli %scan3A_195, %mul3A_196 : i32
      %get3A = arith.index_cast %mul3A_197 : i32 to index
      %get3A_198 = tpu.vector_load %arg4[%get3A] {strides = array<i32>} : memref<512xi32, #tpu.memory_space<vmem>>, vector<16xi32>,
      %ge3A = arith.constant 360 : i32
      %ge3A_199 = vector.broadcast %ge3A : i32 to vector<16xi32>
      %ge3A_200 = arith.cmpi sge, %get3A_198, %ge3A_199 : vector<16xi32>
      %lt3A = arith.constant 480 : i32
      %lt3A_201 = vector.broadcast %lt3A : i32 to vector<16xi32>
      %lt3A_202 = arith.cmpi slt, %get3A_198, %lt3A_201 : vector<16xi32>
      %and3A = arith.andi %ge3A_200, %lt3A_202 : vector<16xi1>
      %sub3A = arith.constant 360 : i32
      %sub3A_203 = vector.broadcast %sub3A : i32 to vector<16xi32>
      %sub3A_204 = arith.subi %get3A_198, %sub3A_203 : vector<16xi32>
      %jit3A = arith.constant 0 : i32
      %broadcast_in_dim3A_205 = vector.broadcast %jit3A : i32 to vector<16xi32>
      %select_n3A = arith.select %and3A, %sub3A_204, %broadcast_in_dim3A_205 : vector<16xi1>, vector<16xi32>
      %mul3A_206 = arith.constant 16 : i32
      %mul3A_207 = arith.muli %scan3A_195, %mul3A_206 : i32
      %add3A_208 = vector.broadcast %mul3A_207 : i32 to vector<16xi32>
      %add3A_209 = arith.addi %iota3A, %add3A_208 : vector<16xi32>
      tpu.vector_store_idx %arg6[%select_n3A, %add3A_209], %broadcast_in_dim3A_5 masked %and3A : memref<120x512xf32, #tpu.memory_space<vmem>>[vector<16xi32>, vector<16xi32>], vector<16xf32>, vector<16xi1>
    }
    %scan3A_70 = arith.constant 32 : i32
    %dma_start3A_71 = arith.constant 360 : i32
    %dma_start3A_72 = tpu.memref_slice %arg3[%dma_start3A_71, %mul3A_2] : memref<1000x16384xf32, #tpu.memory_space<hbm>> -> memref<120x512xf32, #tpu.memory_space<hbm>>
    %dma_start3A_73 = arith.constant 360 : i32
    %dma_start3A_74 = tpu.memref_slice %arg3[%dma_start3A_73, %mul3A_2] : memref<1000x16384xf32, #tpu.memory_space<hbm>> -> memref<120x512xf32, #tpu.memory_space<hbm>>
    tpu.enqueue_dma source(%arg6 : memref<120x512xf32, #tpu.memory_space<vmem>>) target(%dma_start3A_74 : memref<120x512xf32, #tpu.memory_space<hbm>>) target_semaphore(%arg8 : memref<!tpu.dma_semaphore, #tpu.memory_space<semaphore_mem>>)
    %dma_wait3A_75 = arith.constant 240 : i32
    %dma_wait3A_76 = tpu.memref_slice %arg3[%dma_wait3A_75, %mul3A_2] : memref<1000x16384xf32, #tpu.memory_space<hbm>> -> memref<120x512xf32, #tpu.memory_space<hbm>>
    %dma_wait3A_77 = arith.constant 240 : i32
    %dma_wait3A_78 = tpu.memref_slice %arg3[%dma_wait3A_77, %mul3A_2] : memref<1000x16384xf32, #tpu.memory_space<hbm>> -> memref<120x512xf32, #tpu.memory_space<hbm>>
    tpu.wait_dma2 semaphore(%arg7 : memref<!tpu.dma_semaphore, #tpu.memory_space<semaphore_mem>>) src(%arg5 : memref<120x512xf32, #tpu.memory_space<vmem>>) dst(%dma_wait3A_78 : memref<120x512xf32, #tpu.memory_space<hbm>>)
    %scan3A_79 = arith.constant 0 : i32
    %scan3A_80 = arith.constant 0 : i32
    %scan3A_81 = arith.constant 32 : i32
    %scan3A_82 = arith.addi %scan3A_80, %scan3A_81 : i32
    %scan3A_83 = arith.constant 1 : i32
    scf.for %scan3A_195 = %scan3A_80 to %scan3A_82 step %scan3A_83  : i32 {
      %mul3A_196 = arith.constant 16 : i32
      %mul3A_197 = arith.muli %scan3A_195, %mul3A_196 : i32
      %get3A = arith.index_cast %mul3A_197 : i32 to index
      %get3A_198 = tpu.vector_load %arg4[%get3A] {strides = array<i32>} : memref<512xi32, #tpu.memory_space<vmem>>, vector<16xi32>,
      %ge3A = arith.constant 240 : i32
      %ge3A_199 = vector.broadcast %ge3A : i32 to vector<16xi32>
      %ge3A_200 = arith.cmpi sge, %get3A_198, %ge3A_199 : vector<16xi32>
      %lt3A = arith.constant 360 : i32
      %lt3A_201 = vector.broadcast %lt3A : i32 to vector<16xi32>
      %lt3A_202 = arith.cmpi slt, %get3A_198, %lt3A_201 : vector<16xi32>
      %and3A = arith.andi %ge3A_200, %lt3A_202 : vector<16xi1>
      %sub3A = arith.constant 240 : i32
      %sub3A_203 = vector.broadcast %sub3A : i32 to vector<16xi32>
      %sub3A_204 = arith.subi %get3A_198, %sub3A_203 : vector<16xi32>
      %jit3A = arith.constant 0 : i32
      %broadcast_in_dim3A_205 = vector.broadcast %jit3A : i32 to vector<16xi32>
      %select_n3A = arith.select %and3A, %sub3A_204, %broadcast_in_dim3A_205 : vector<16xi1>, vector<16xi32>
      %mul3A_206 = arith.constant 16 : i32
      %mul3A_207 = arith.muli %scan3A_195, %mul3A_206 : i32
      %add3A_208 = vector.broadcast %mul3A_207 : i32 to vector<16xi32>
      %add3A_209 = arith.addi %iota3A, %add3A_208 : vector<16xi32>
      tpu.vector_store_idx %arg5[%select_n3A, %add3A_209], %broadcast_in_dim3A_3 masked %and3A : memref<120x512xf32, #tpu.memory_space<vmem>>[vector<16xi32>, vector<16xi32>], vector<16xf32>, vector<16xi1>
    }
    %scan3A_84 = arith.constant 32 : i32
    %scan3A_85 = arith.constant 0 : i32
    %scan3A_86 = arith.constant 0 : i32
    %scan3A_87 = arith.constant 32 : i32
    %scan3A_88 = arith.addi %scan3A_86, %scan3A_87 : i32
    %scan3A_89 = arith.constant 1 : i32
    scf.for %scan3A_195 = %scan3A_86 to %scan3A_88 step %scan3A_89  : i32 {
      %mul3A_196 = arith.constant 16 : i32
      %mul3A_197 = arith.muli %scan3A_195, %mul3A_196 : i32
      %get3A = arith.index_cast %mul3A_197 : i32 to index
      %get3A_198 = tpu.vector_load %arg4[%get3A] {strides = array<i32>} : memref<512xi32, #tpu.memory_space<vmem>>, vector<16xi32>,
      %ge3A = arith.constant 480 : i32
      %ge3A_199 = vector.broadcast %ge3A : i32 to vector<16xi32>
      %ge3A_200 = arith.cmpi sge, %get3A_198, %ge3A_199 : vector<16xi32>
      %lt3A = arith.constant 600 : i32
      %lt3A_201 = vector.broadcast %lt3A : i32 to vector<16xi32>
      %lt3A_202 = arith.cmpi slt, %get3A_198, %lt3A_201 : vector<16xi32>
      %and3A = arith.andi %ge3A_200, %lt3A_202 : vector<16xi1>
      %sub3A = arith.constant 480 : i32
      %sub3A_203 = vector.broadcast %sub3A : i32 to vector<16xi32>
      %sub3A_204 = arith.subi %get3A_198, %sub3A_203 : vector<16xi32>
      %jit3A = arith.constant 0 : i32
      %broadcast_in_dim3A_205 = vector.broadcast %jit3A : i32 to vector<16xi32>
      %select_n3A = arith.select %and3A, %sub3A_204, %broadcast_in_dim3A_205 : vector<16xi1>, vector<16xi32>
      %mul3A_206 = arith.constant 16 : i32
      %mul3A_207 = arith.muli %scan3A_195, %mul3A_206 : i32
      %add3A_208 = vector.broadcast %mul3A_207 : i32 to vector<16xi32>
      %add3A_209 = arith.addi %iota3A, %add3A_208 : vector<16xi32>
      tpu.vector_store_idx %arg5[%select_n3A, %add3A_209], %broadcast_in_dim3A_5 masked %and3A : memref<120x512xf32, #tpu.memory_space<vmem>>[vector<16xi32>, vector<16xi32>], vector<16xf32>, vector<16xi1>
    }
    %scan3A_90 = arith.constant 32 : i32
    %dma_start3A_91 = arith.constant 480 : i32
    %dma_start3A_92 = tpu.memref_slice %arg3[%dma_start3A_91, %mul3A_2] : memref<1000x16384xf32, #tpu.memory_space<hbm>> -> memref<120x512xf32, #tpu.memory_space<hbm>>
    %dma_start3A_93 = arith.constant 480 : i32
    %dma_start3A_94 = tpu.memref_slice %arg3[%dma_start3A_93, %mul3A_2] : memref<1000x16384xf32, #tpu.memory_space<hbm>> -> memref<120x512xf32, #tpu.memory_space<hbm>>
    tpu.enqueue_dma source(%arg5 : memref<120x512xf32, #tpu.memory_space<vmem>>) target(%dma_start3A_94 : memref<120x512xf32, #tpu.memory_space<hbm>>) target_semaphore(%arg7 : memref<!tpu.dma_semaphore, #tpu.memory_space<semaphore_mem>>)
    %dma_wait3A_95 = arith.constant 360 : i32
    %dma_wait3A_96 = tpu.memref_slice %arg3[%dma_wait3A_95, %mul3A_2] : memref<1000x16384xf32, #tpu.memory_space<hbm>> -> memref<120x512xf32, #tpu.memory_space<hbm>>
    %dma_wait3A_97 = arith.constant 360 : i32
    %dma_wait3A_98 = tpu.memref_slice %arg3[%dma_wait3A_97, %mul3A_2] : memref<1000x16384xf32, #tpu.memory_space<hbm>> -> memref<120x512xf32, #tpu.memory_space<hbm>>
    tpu.wait_dma2 semaphore(%arg8 : memref<!tpu.dma_semaphore, #tpu.memory_space<semaphore_mem>>) src(%arg6 : memref<120x512xf32, #tpu.memory_space<vmem>>) dst(%dma_wait3A_98 : memref<120x512xf32, #tpu.memory_space<hbm>>)
    %scan3A_99 = arith.constant 0 : i32
    %scan3A_100 = arith.constant 0 : i32
    %scan3A_101 = arith.constant 32 : i32
    %scan3A_102 = arith.addi %scan3A_100, %scan3A_101 : i32
    %scan3A_103 = arith.constant 1 : i32
    scf.for %scan3A_195 = %scan3A_100 to %scan3A_102 step %scan3A_103  : i32 {
      %mul3A_196 = arith.constant 16 : i32
      %mul3A_197 = arith.muli %scan3A_195, %mul3A_196 : i32
      %get3A = arith.index_cast %mul3A_197 : i32 to index
      %get3A_198 = tpu.vector_load %arg4[%get3A] {strides = array<i32>} : memref<512xi32, #tpu.memory_space<vmem>>, vector<16xi32>,
      %ge3A = arith.constant 360 : i32
      %ge3A_199 = vector.broadcast %ge3A : i32 to vector<16xi32>
      %ge3A_200 = arith.cmpi sge, %get3A_198, %ge3A_199 : vector<16xi32>
      %lt3A = arith.constant 480 : i32
      %lt3A_201 = vector.broadcast %lt3A : i32 to vector<16xi32>
      %lt3A_202 = arith.cmpi slt, %get3A_198, %lt3A_201 : vector<16xi32>
      %and3A = arith.andi %ge3A_200, %lt3A_202 : vector<16xi1>
      %sub3A = arith.constant 360 : i32
      %sub3A_203 = vector.broadcast %sub3A : i32 to vector<16xi32>
      %sub3A_204 = arith.subi %get3A_198, %sub3A_203 : vector<16xi32>
      %jit3A = arith.constant 0 : i32
      %broadcast_in_dim3A_205 = vector.broadcast %jit3A : i32 to vector<16xi32>
      %select_n3A = arith.select %and3A, %sub3A_204, %broadcast_in_dim3A_205 : vector<16xi1>, vector<16xi32>
      %mul3A_206 = arith.constant 16 : i32
      %mul3A_207 = arith.muli %scan3A_195, %mul3A_206 : i32
      %add3A_208 = vector.broadcast %mul3A_207 : i32 to vector<16xi32>
      %add3A_209 = arith.addi %iota3A, %add3A_208 : vector<16xi32>
      tpu.vector_store_idx %arg6[%select_n3A, %add3A_209], %broadcast_in_dim3A_3 masked %and3A : memref<120x512xf32, #tpu.memory_space<vmem>>[vector<16xi32>, vector<16xi32>], vector<16xf32>, vector<16xi1>
    }
    %scan3A_104 = arith.constant 32 : i32
    %scan3A_105 = arith.constant 0 : i32
    %scan3A_106 = arith.constant 0 : i32
    %scan3A_107 = arith.constant 32 : i32
    %scan3A_108 = arith.addi %scan3A_106, %scan3A_107 : i32
    %scan3A_109 = arith.constant 1 : i32
    scf.for %scan3A_195 = %scan3A_106 to %scan3A_108 step %scan3A_109  : i32 {
      %mul3A_196 = arith.constant 16 : i32
      %mul3A_197 = arith.muli %scan3A_195, %mul3A_196 : i32
      %get3A = arith.index_cast %mul3A_197 : i32 to index
      %get3A_198 = tpu.vector_load %arg4[%get3A] {strides = array<i32>} : memref<512xi32, #tpu.memory_space<vmem>>, vector<16xi32>,
      %ge3A = arith.constant 600 : i32
      %ge3A_199 = vector.broadcast %ge3A : i32 to vector<16xi32>
      %ge3A_200 = arith.cmpi sge, %get3A_198, %ge3A_199 : vector<16xi32>
      %lt3A = arith.constant 720 : i32
      %lt3A_201 = vector.broadcast %lt3A : i32 to vector<16xi32>
      %lt3A_202 = arith.cmpi slt, %get3A_198, %lt3A_201 : vector<16xi32>
      %and3A = arith.andi %ge3A_200, %lt3A_202 : vector<16xi1>
      %sub3A = arith.constant 600 : i32
      %sub3A_203 = vector.broadcast %sub3A : i32 to vector<16xi32>
      %sub3A_204 = arith.subi %get3A_198, %sub3A_203 : vector<16xi32>
      %jit3A = arith.constant 0 : i32
      %broadcast_in_dim3A_205 = vector.broadcast %jit3A : i32 to vector<16xi32>
      %select_n3A = arith.select %and3A, %sub3A_204, %broadcast_in_dim3A_205 : vector<16xi1>, vector<16xi32>
      %mul3A_206 = arith.constant 16 : i32
      %mul3A_207 = arith.muli %scan3A_195, %mul3A_206 : i32
      %add3A_208 = vector.broadcast %mul3A_207 : i32 to vector<16xi32>
      %add3A_209 = arith.addi %iota3A, %add3A_208 : vector<16xi32>
      tpu.vector_store_idx %arg6[%select_n3A, %add3A_209], %broadcast_in_dim3A_5 masked %and3A : memref<120x512xf32, #tpu.memory_space<vmem>>[vector<16xi32>, vector<16xi32>], vector<16xf32>, vector<16xi1>
    }
    %scan3A_110 = arith.constant 32 : i32
    %dma_start3A_111 = arith.constant 600 : i32
    %dma_start3A_112 = tpu.memref_slice %arg3[%dma_start3A_111, %mul3A_2] : memref<1000x16384xf32, #tpu.memory_space<hbm>> -> memref<120x512xf32, #tpu.memory_space<hbm>>
    %dma_start3A_113 = arith.constant 600 : i32
    %dma_start3A_114 = tpu.memref_slice %arg3[%dma_start3A_113, %mul3A_2] : memref<1000x16384xf32, #tpu.memory_space<hbm>> -> memref<120x512xf32, #tpu.memory_space<hbm>>
    tpu.enqueue_dma source(%arg6 : memref<120x512xf32, #tpu.memory_space<vmem>>) target(%dma_start3A_114 : memref<120x512xf32, #tpu.memory_space<hbm>>) target_semaphore(%arg8 : memref<!tpu.dma_semaphore, #tpu.memory_space<semaphore_mem>>)
    %dma_wait3A_115 = arith.constant 480 : i32
    %dma_wait3A_116 = tpu.memref_slice %arg3[%dma_wait3A_115, %mul3A_2] : memref<1000x16384xf32, #tpu.memory_space<hbm>> -> memref<120x512xf32, #tpu.memory_space<hbm>>
    %dma_wait3A_117 = arith.constant 480 : i32
    %dma_wait3A_118 = tpu.memref_slice %arg3[%dma_wait3A_117, %mul3A_2] : memref<1000x16384xf32, #tpu.memory_space<hbm>> -> memref<120x512xf32, #tpu.memory_space<hbm>>
    tpu.wait_dma2 semaphore(%arg7 : memref<!tpu.dma_semaphore, #tpu.memory_space<semaphore_mem>>) src(%arg5 : memref<120x512xf32, #tpu.memory_space<vmem>>) dst(%dma_wait3A_118 : memref<120x512xf32, #tpu.memory_space<hbm>>)
    %scan3A_119 = arith.constant 0 : i32
    %scan3A_120 = arith.constant 0 : i32
    %scan3A_121 = arith.constant 32 : i32
    %scan3A_122 = arith.addi %scan3A_120, %scan3A_121 : i32
    %scan3A_123 = arith.constant 1 : i32
    scf.for %scan3A_195 = %scan3A_120 to %scan3A_122 step %scan3A_123  : i32 {
      %mul3A_196 = arith.constant 16 : i32
      %mul3A_197 = arith.muli %scan3A_195, %mul3A_196 : i32
      %get3A = arith.index_cast %mul3A_197 : i32 to index
      %get3A_198 = tpu.vector_load %arg4[%get3A] {strides = array<i32>} : memref<512xi32, #tpu.memory_space<vmem>>, vector<16xi32>,
      %ge3A = arith.constant 480 : i32
      %ge3A_199 = vector.broadcast %ge3A : i32 to vector<16xi32>
      %ge3A_200 = arith.cmpi sge, %get3A_198, %ge3A_199 : vector<16xi32>
      %lt3A = arith.constant 600 : i32
      %lt3A_201 = vector.broadcast %lt3A : i32 to vector<16xi32>
      %lt3A_202 = arith.cmpi slt, %get3A_198, %lt3A_201 : vector<16xi32>
      %and3A = arith.andi %ge3A_200, %lt3A_202 : vector<16xi1>
      %sub3A = arith.constant 480 : i32
      %sub3A_203 = vector.broadcast %sub3A : i32 to vector<16xi32>
      %sub3A_204 = arith.subi %get3A_198, %sub3A_203 : vector<16xi32>
      %jit3A = arith.constant 0 : i32
      %broadcast_in_dim3A_205 = vector.broadcast %jit3A : i32 to vector<16xi32>
      %select_n3A = arith.select %and3A, %sub3A_204, %broadcast_in_dim3A_205 : vector<16xi1>, vector<16xi32>
      %mul3A_206 = arith.constant 16 : i32
      %mul3A_207 = arith.muli %scan3A_195, %mul3A_206 : i32
      %add3A_208 = vector.broadcast %mul3A_207 : i32 to vector<16xi32>
      %add3A_209 = arith.addi %iota3A, %add3A_208 : vector<16xi32>
      tpu.vector_store_idx %arg5[%select_n3A, %add3A_209], %broadcast_in_dim3A_3 masked %and3A : memref<120x512xf32, #tpu.memory_space<vmem>>[vector<16xi32>, vector<16xi32>], vector<16xf32>, vector<16xi1>
    }
    %scan3A_124 = arith.constant 32 : i32
    %scan3A_125 = arith.constant 0 : i32
    %scan3A_126 = arith.constant 0 : i32
    %scan3A_127 = arith.constant 32 : i32
    %scan3A_128 = arith.addi %scan3A_126, %scan3A_127 : i32
    %scan3A_129 = arith.constant 1 : i32
    scf.for %scan3A_195 = %scan3A_126 to %scan3A_128 step %scan3A_129  : i32 {
      %mul3A_196 = arith.constant 16 : i32
      %mul3A_197 = arith.muli %scan3A_195, %mul3A_196 : i32
      %get3A = arith.index_cast %mul3A_197 : i32 to index
      %get3A_198 = tpu.vector_load %arg4[%get3A] {strides = array<i32>} : memref<512xi32, #tpu.memory_space<vmem>>, vector<16xi32>,
      %ge3A = arith.constant 720 : i32
      %ge3A_199 = vector.broadcast %ge3A : i32 to vector<16xi32>
      %ge3A_200 = arith.cmpi sge, %get3A_198, %ge3A_199 : vector<16xi32>
      %lt3A = arith.constant 840 : i32
      %lt3A_201 = vector.broadcast %lt3A : i32 to vector<16xi32>
      %lt3A_202 = arith.cmpi slt, %get3A_198, %lt3A_201 : vector<16xi32>
      %and3A = arith.andi %ge3A_200, %lt3A_202 : vector<16xi1>
      %sub3A = arith.constant 720 : i32
      %sub3A_203 = vector.broadcast %sub3A : i32 to vector<16xi32>
      %sub3A_204 = arith.subi %get3A_198, %sub3A_203 : vector<16xi32>
      %jit3A = arith.constant 0 : i32
      %broadcast_in_dim3A_205 = vector.broadcast %jit3A : i32 to vector<16xi32>
      %select_n3A = arith.select %and3A, %sub3A_204, %broadcast_in_dim3A_205 : vector<16xi1>, vector<16xi32>
      %mul3A_206 = arith.constant 16 : i32
      %mul3A_207 = arith.muli %scan3A_195, %mul3A_206 : i32
      %add3A_208 = vector.broadcast %mul3A_207 : i32 to vector<16xi32>
      %add3A_209 = arith.addi %iota3A, %add3A_208 : vector<16xi32>
      tpu.vector_store_idx %arg5[%select_n3A, %add3A_209], %broadcast_in_dim3A_5 masked %and3A : memref<120x512xf32, #tpu.memory_space<vmem>>[vector<16xi32>, vector<16xi32>], vector<16xf32>, vector<16xi1>
    }
    %scan3A_130 = arith.constant 32 : i32
    %dma_start3A_131 = arith.constant 720 : i32
    %dma_start3A_132 = tpu.memref_slice %arg3[%dma_start3A_131, %mul3A_2] : memref<1000x16384xf32, #tpu.memory_space<hbm>> -> memref<120x512xf32, #tpu.memory_space<hbm>>
    %dma_start3A_133 = arith.constant 720 : i32
    %dma_start3A_134 = tpu.memref_slice %arg3[%dma_start3A_133, %mul3A_2] : memref<1000x16384xf32, #tpu.memory_space<hbm>> -> memref<120x512xf32, #tpu.memory_space<hbm>>
    tpu.enqueue_dma source(%arg5 : memref<120x512xf32, #tpu.memory_space<vmem>>) target(%dma_start3A_134 : memref<120x512xf32, #tpu.memory_space<hbm>>) target_semaphore(%arg7 : memref<!tpu.dma_semaphore, #tpu.memory_space<semaphore_mem>>)
    %dma_wait3A_135 = arith.constant 600 : i32
    %dma_wait3A_136 = tpu.memref_slice %arg3[%dma_wait3A_135, %mul3A_2] : memref<1000x16384xf32, #tpu.memory_space<hbm>> -> memref<120x512xf32, #tpu.memory_space<hbm>>
    %dma_wait3A_137 = arith.constant 600 : i32
    %dma_wait3A_138 = tpu.memref_slice %arg3[%dma_wait3A_137, %mul3A_2] : memref<1000x16384xf32, #tpu.memory_space<hbm>> -> memref<120x512xf32, #tpu.memory_space<hbm>>
    tpu.wait_dma2 semaphore(%arg8 : memref<!tpu.dma_semaphore, #tpu.memory_space<semaphore_mem>>) src(%arg6 : memref<120x512xf32, #tpu.memory_space<vmem>>) dst(%dma_wait3A_138 : memref<120x512xf32, #tpu.memory_space<hbm>>)
    %scan3A_139 = arith.constant 0 : i32
    %scan3A_140 = arith.constant 0 : i32
    %scan3A_141 = arith.constant 32 : i32
    %scan3A_142 = arith.addi %scan3A_140, %scan3A_141 : i32
    %scan3A_143 = arith.constant 1 : i32
    scf.for %scan3A_195 = %scan3A_140 to %scan3A_142 step %scan3A_143  : i32 {
      %mul3A_196 = arith.constant 16 : i32
      %mul3A_197 = arith.muli %scan3A_195, %mul3A_196 : i32
      %get3A = arith.index_cast %mul3A_197 : i32 to index
      %get3A_198 = tpu.vector_load %arg4[%get3A] {strides = array<i32>} : memref<512xi32, #tpu.memory_space<vmem>>, vector<16xi32>,
      %ge3A = arith.constant 600 : i32
      %ge3A_199 = vector.broadcast %ge3A : i32 to vector<16xi32>
      %ge3A_200 = arith.cmpi sge, %get3A_198, %ge3A_199 : vector<16xi32>
      %lt3A = arith.constant 720 : i32
      %lt3A_201 = vector.broadcast %lt3A : i32 to vector<16xi32>
      %lt3A_202 = arith.cmpi slt, %get3A_198, %lt3A_201 : vector<16xi32>
      %and3A = arith.andi %ge3A_200, %lt3A_202 : vector<16xi1>
      %sub3A = arith.constant 600 : i32
      %sub3A_203 = vector.broadcast %sub3A : i32 to vector<16xi32>
      %sub3A_204 = arith.subi %get3A_198, %sub3A_203 : vector<16xi32>
      %jit3A = arith.constant 0 : i32
      %broadcast_in_dim3A_205 = vector.broadcast %jit3A : i32 to vector<16xi32>
      %select_n3A = arith.select %and3A, %sub3A_204, %broadcast_in_dim3A_205 : vector<16xi1>, vector<16xi32>
      %mul3A_206 = arith.constant 16 : i32
      %mul3A_207 = arith.muli %scan3A_195, %mul3A_206 : i32
      %add3A_208 = vector.broadcast %mul3A_207 : i32 to vector<16xi32>
      %add3A_209 = arith.addi %iota3A, %add3A_208 : vector<16xi32>
      tpu.vector_store_idx %arg6[%select_n3A, %add3A_209], %broadcast_in_dim3A_3 masked %and3A : memref<120x512xf32, #tpu.memory_space<vmem>>[vector<16xi32>, vector<16xi32>], vector<16xf32>, vector<16xi1>
    }
    %scan3A_144 = arith.constant 32 : i32
    %scan3A_145 = arith.constant 0 : i32
    %scan3A_146 = arith.constant 0 : i32
    %scan3A_147 = arith.constant 32 : i32
    %scan3A_148 = arith.addi %scan3A_146, %scan3A_147 : i32
    %scan3A_149 = arith.constant 1 : i32
    scf.for %scan3A_195 = %scan3A_146 to %scan3A_148 step %scan3A_149  : i32 {
      %mul3A_196 = arith.constant 16 : i32
      %mul3A_197 = arith.muli %scan3A_195, %mul3A_196 : i32
      %get3A = arith.index_cast %mul3A_197 : i32 to index
      %get3A_198 = tpu.vector_load %arg4[%get3A] {strides = array<i32>} : memref<512xi32, #tpu.memory_space<vmem>>, vector<16xi32>,
      %ge3A = arith.constant 840 : i32
      %ge3A_199 = vector.broadcast %ge3A : i32 to vector<16xi32>
      %ge3A_200 = arith.cmpi sge, %get3A_198, %ge3A_199 : vector<16xi32>
      %lt3A = arith.constant 960 : i32
      %lt3A_201 = vector.broadcast %lt3A : i32 to vector<16xi32>
      %lt3A_202 = arith.cmpi slt, %get3A_198, %lt3A_201 : vector<16xi32>
      %and3A = arith.andi %ge3A_200, %lt3A_202 : vector<16xi1>
      %sub3A = arith.constant 840 : i32
      %sub3A_203 = vector.broadcast %sub3A : i32 to vector<16xi32>
      %sub3A_204 = arith.subi %get3A_198, %sub3A_203 : vector<16xi32>
      %jit3A = arith.constant 0 : i32
      %broadcast_in_dim3A_205 = vector.broadcast %jit3A : i32 to vector<16xi32>
      %select_n3A = arith.select %and3A, %sub3A_204, %broadcast_in_dim3A_205 : vector<16xi1>, vector<16xi32>
      %mul3A_206 = arith.constant 16 : i32
      %mul3A_207 = arith.muli %scan3A_195, %mul3A_206 : i32
      %add3A_208 = vector.broadcast %mul3A_207 : i32 to vector<16xi32>
      %add3A_209 = arith.addi %iota3A, %add3A_208 : vector<16xi32>
      tpu.vector_store_idx %arg6[%select_n3A, %add3A_209], %broadcast_in_dim3A_5 masked %and3A : memref<120x512xf32, #tpu.memory_space<vmem>>[vector<16xi32>, vector<16xi32>], vector<16xf32>, vector<16xi1>
    }
    %scan3A_150 = arith.constant 32 : i32
    %dma_start3A_151 = arith.constant 840 : i32
    %dma_start3A_152 = tpu.memref_slice %arg3[%dma_start3A_151, %mul3A_2] : memref<1000x16384xf32, #tpu.memory_space<hbm>> -> memref<120x512xf32, #tpu.memory_space<hbm>>
    %dma_start3A_153 = arith.constant 840 : i32
    %dma_start3A_154 = tpu.memref_slice %arg3[%dma_start3A_153, %mul3A_2] : memref<1000x16384xf32, #tpu.memory_space<hbm>> -> memref<120x512xf32, #tpu.memory_space<hbm>>
    tpu.enqueue_dma source(%arg6 : memref<120x512xf32, #tpu.memory_space<vmem>>) target(%dma_start3A_154 : memref<120x512xf32, #tpu.memory_space<hbm>>) target_semaphore(%arg8 : memref<!tpu.dma_semaphore, #tpu.memory_space<semaphore_mem>>)
    %dma_wait3A_155 = arith.constant 720 : i32
    %dma_wait3A_156 = tpu.memref_slice %arg3[%dma_wait3A_155, %mul3A_2] : memref<1000x16384xf32, #tpu.memory_space<hbm>> -> memref<120x512xf32, #tpu.memory_space<hbm>>
    %dma_wait3A_157 = arith.constant 720 : i32
    %dma_wait3A_158 = tpu.memref_slice %arg3[%dma_wait3A_157, %mul3A_2] : memref<1000x16384xf32, #tpu.memory_space<hbm>> -> memref<120x512xf32, #tpu.memory_space<hbm>>
    tpu.wait_dma2 semaphore(%arg7 : memref<!tpu.dma_semaphore, #tpu.memory_space<semaphore_mem>>) src(%arg5 : memref<120x512xf32, #tpu.memory_space<vmem>>) dst(%dma_wait3A_158 : memref<120x512xf32, #tpu.memory_space<hbm>>)
    %scan3A_159 = arith.constant 0 : i32
    %scan3A_160 = arith.constant 0 : i32
    %scan3A_161 = arith.constant 32 : i32
    %scan3A_162 = arith.addi %scan3A_160, %scan3A_161 : i32
    %scan3A_163 = arith.constant 1 : i32
    scf.for %scan3A_195 = %scan3A_160 to %scan3A_162 step %scan3A_163  : i32 {
      %mul3A_196 = arith.constant 16 : i32
      %mul3A_197 = arith.muli %scan3A_195, %mul3A_196 : i32
      %get3A = arith.index_cast %mul3A_197 : i32 to index
      %get3A_198 = tpu.vector_load %arg4[%get3A] {strides = array<i32>} : memref<512xi32, #tpu.memory_space<vmem>>, vector<16xi32>,
      %ge3A = arith.constant 720 : i32
      %ge3A_199 = vector.broadcast %ge3A : i32 to vector<16xi32>
      %ge3A_200 = arith.cmpi sge, %get3A_198, %ge3A_199 : vector<16xi32>
      %lt3A = arith.constant 840 : i32
      %lt3A_201 = vector.broadcast %lt3A : i32 to vector<16xi32>
      %lt3A_202 = arith.cmpi slt, %get3A_198, %lt3A_201 : vector<16xi32>
      %and3A = arith.andi %ge3A_200, %lt3A_202 : vector<16xi1>
      %sub3A = arith.constant 720 : i32
      %sub3A_203 = vector.broadcast %sub3A : i32 to vector<16xi32>
      %sub3A_204 = arith.subi %get3A_198, %sub3A_203 : vector<16xi32>
      %jit3A = arith.constant 0 : i32
      %broadcast_in_dim3A_205 = vector.broadcast %jit3A : i32 to vector<16xi32>
      %select_n3A = arith.select %and3A, %sub3A_204, %broadcast_in_dim3A_205 : vector<16xi1>, vector<16xi32>
      %mul3A_206 = arith.constant 16 : i32
      %mul3A_207 = arith.muli %scan3A_195, %mul3A_206 : i32
      %add3A_208 = vector.broadcast %mul3A_207 : i32 to vector<16xi32>
      %add3A_209 = arith.addi %iota3A, %add3A_208 : vector<16xi32>
      tpu.vector_store_idx %arg5[%select_n3A, %add3A_209], %broadcast_in_dim3A_3 masked %and3A : memref<120x512xf32, #tpu.memory_space<vmem>>[vector<16xi32>, vector<16xi32>], vector<16xf32>, vector<16xi1>
    }
    %scan3A_164 = arith.constant 32 : i32
    %scan3A_165 = arith.constant 0 : i32
    %scan3A_166 = arith.constant 0 : i32
    %scan3A_167 = arith.constant 32 : i32
    %scan3A_168 = arith.addi %scan3A_166, %scan3A_167 : i32
    %scan3A_169 = arith.constant 1 : i32
    scf.for %scan3A_195 = %scan3A_166 to %scan3A_168 step %scan3A_169  : i32 {
      %mul3A_196 = arith.constant 16 : i32
      %mul3A_197 = arith.muli %scan3A_195, %mul3A_196 : i32
      %get3A = arith.index_cast %mul3A_197 : i32 to index
      %get3A_198 = tpu.vector_load %arg4[%get3A] {strides = array<i32>} : memref<512xi32, #tpu.memory_space<vmem>>, vector<16xi32>,
      %ge3A = arith.constant 960 : i32
      %ge3A_199 = vector.broadcast %ge3A : i32 to vector<16xi32>
      %ge3A_200 = arith.cmpi sge, %get3A_198, %ge3A_199 : vector<16xi32>
      %lt3A = arith.constant 1000 : i32
      %lt3A_201 = vector.broadcast %lt3A : i32 to vector<16xi32>
      %lt3A_202 = arith.cmpi slt, %get3A_198, %lt3A_201 : vector<16xi32>
      %and3A = arith.andi %ge3A_200, %lt3A_202 : vector<16xi1>
      %sub3A = arith.constant 960 : i32
      %sub3A_203 = vector.broadcast %sub3A : i32 to vector<16xi32>
      %sub3A_204 = arith.subi %get3A_198, %sub3A_203 : vector<16xi32>
      %jit3A = arith.constant 0 : i32
      %broadcast_in_dim3A_205 = vector.broadcast %jit3A : i32 to vector<16xi32>
      %select_n3A = arith.select %and3A, %sub3A_204, %broadcast_in_dim3A_205 : vector<16xi1>, vector<16xi32>
      %mul3A_206 = arith.constant 16 : i32
      %mul3A_207 = arith.muli %scan3A_195, %mul3A_206 : i32
      %add3A_208 = vector.broadcast %mul3A_207 : i32 to vector<16xi32>
      %add3A_209 = arith.addi %iota3A, %add3A_208 : vector<16xi32>
      tpu.vector_store_idx %arg5[%select_n3A, %add3A_209], %broadcast_in_dim3A_5 masked %and3A : memref<120x512xf32, #tpu.memory_space<vmem>>[vector<16xi32>, vector<16xi32>], vector<16xf32>, vector<16xi1>
    }
    %scan3A_170 = arith.constant 32 : i32
    %dma_start3A_171 = arith.constant 0 : i32
    %dma_start3A_172 = arith.constant 0 : i32
    %dma_start3A_173 = tpu.memref_slice %arg5[%dma_start3A_171, %dma_start3A_172] : memref<120x512xf32, #tpu.memory_space<vmem>> -> memref<40x512xf32, #tpu.memory_space<vmem>>
    %dma_start3A_174 = arith.constant 960 : i32
    %dma_start3A_175 = tpu.memref_slice %arg3[%dma_start3A_174, %mul3A_2] : memref<1000x16384xf32, #tpu.memory_space<hbm>> -> memref<40x512xf32, #tpu.memory_space<hbm>>
    %dma_start3A_176 = arith.constant 960 : i32
    %dma_start3A_177 = tpu.memref_slice %arg3[%dma_start3A_176, %mul3A_2] : memref<1000x16384xf32, #tpu.memory_space<hbm>> -> memref<40x512xf32, #tpu.memory_space<hbm>>
    %dma_start3A_178 = arith.constant 0 : i32
    %dma_start3A_179 = arith.constant 0 : i32
    %dma_start3A_180 = tpu.memref_slice %arg5[%dma_start3A_178, %dma_start3A_179] : memref<120x512xf32, #tpu.memory_space<vmem>> -> memref<40x512xf32, #tpu.memory_space<vmem>>
    tpu.enqueue_dma source(%dma_start3A_180 : memref<40x512xf32, #tpu.memory_space<vmem>>) target(%dma_start3A_177 : memref<40x512xf32, #tpu.memory_space<hbm>>) target_semaphore(%arg7 : memref<!tpu.dma_semaphore, #tpu.memory_space<semaphore_mem>>)
    %dma_wait3A_181 = arith.constant 0 : i32
    %dma_wait3A_182 = arith.constant 0 : i32
    %dma_wait3A_183 = tpu.memref_slice %arg5[%dma_wait3A_181, %dma_wait3A_182] : memref<120x512xf32, #tpu.memory_space<vmem>> -> memref<40x512xf32, #tpu.memory_space<vmem>>
    %dma_wait3A_184 = arith.constant 960 : i32
    %dma_wait3A_185 = tpu.memref_slice %arg3[%dma_wait3A_184, %mul3A_2] : memref<1000x16384xf32, #tpu.memory_space<hbm>> -> memref<40x512xf32, #tpu.memory_space<hbm>>
    %dma_wait3A_186 = arith.constant 960 : i32
    %dma_wait3A_187 = tpu.memref_slice %arg3[%dma_wait3A_186, %mul3A_2] : memref<1000x16384xf32, #tpu.memory_space<hbm>> -> memref<40x512xf32, #tpu.memory_space<hbm>>
    %dma_wait3A_188 = arith.constant 0 : i32
    %dma_wait3A_189 = arith.constant 0 : i32
    %dma_wait3A_190 = tpu.memref_slice %arg5[%dma_wait3A_188, %dma_wait3A_189] : memref<120x512xf32, #tpu.memory_space<vmem>> -> memref<40x512xf32, #tpu.memory_space<vmem>>
    tpu.wait_dma2 semaphore(%arg7 : memref<!tpu.dma_semaphore, #tpu.memory_space<semaphore_mem>>) src(%dma_wait3A_190 : memref<40x512xf32, #tpu.memory_space<vmem>>) dst(%dma_wait3A_187 : memref<40x512xf32, #tpu.memory_space<hbm>>)
    %dma_wait3A_191 = arith.constant 840 : i32
    %dma_wait3A_192 = tpu.memref_slice %arg3[%dma_wait3A_191, %mul3A_2] : memref<1000x16384xf32, #tpu.memory_space<hbm>> -> memref<120x512xf32, #tpu.memory_space<hbm>>
    %dma_wait3A_193 = arith.constant 840 : i32
    %dma_wait3A_194 = tpu.memref_slice %arg3[%dma_wait3A_193, %mul3A_2] : memref<1000x16384xf32, #tpu.memory_space<hbm>> -> memref<120x512xf32, #tpu.memory_space<hbm>>
    tpu.wait_dma2 semaphore(%arg8 : memref<!tpu.dma_semaphore, #tpu.memory_space<semaphore_mem>>) src(%arg6 : memref<120x512xf32, #tpu.memory_space<vmem>>) dst(%dma_wait3A_194 : memref<120x512xf32, #tpu.memory_space<hbm>>)
    return
  }
}

</mosaic_0001>

<sc_bundles>
// kernel: kernel.3.cloned.1.call-start
scs
__scs_entry_jumppad:
0x0: {  	(pc) =	sbr.rel $0x88, $3  }
0x1: {  	(tag) =	ssettag $0x0;
	lr =	simm.s32 $0x1  }
0x2: {  	[smem:$0x3FA0] =	sst lr;
	_ =	strace $0xD0000000  }
0x3: {  	_ = 	snop  }
0x4: {  	_ = 	snop  }
0x5: {  	_ = 	snop  }
0x6: {  	_ = 	snop  }
0x7: {  	_ = 	snop  }
__scs_overlays_trampoline_lowered:
0x8: {  	[smem:$0x3FAF] =	sst s0  }
0x9: {  	[smem:$0x3FB0] =	sst s1  }
0xa: {  	[smem:$0x3FB1] =	sst s2  }
0xb: {  	[smem:$0x3FB2] =	sst s3  }
0xc: {  	[smem:$0x3FB3] =	sst s4  }
0xd: {  	[smem:$0x3FB4] =	sst s5  }
0xe: {  	[smem:$0x3FB5] =	sst s6  }
0xf: {  	[smem:$0x3FB6] =	sst s7  }
0x10: {  	[smem:$0x3FB7] =	sst s8  }
0x11: {  	[smem:$0x3FB8] =	sst s9;
	s0 =	simm.s32 @!p0 $0x0  }
0x12: {  	s1 =	sld [smem:$0x3F9E];
	s0 =	simm.s32 @p0 $0x1  }
0x13: {  	[smem:$0x3FB9] =	sst s0;
	s0 =	simm.s32 @!p1 $0x0  }
0x14: {  	s2 =	sld [smem:$0x3F9D];
	s0 =	simm.s32 @p1 $0x1  }
0x15: {  	[smem:$0x3FBA] =	sst s0;
	s0 =	simm.s32 @!p2 $0x0  }
0x16: {  	s3 =	sld [smem:$0x3FDB];
	s0 =	simm.s32 @p2 $0x1  }
0x17: {  	s4 =	simm.s32 $0x1BF5;
	[smem:$0x3FBC] =	sst s0  }
0x18: {  	s0 =	sld [smem:$0x3F9F];
	_ =	swait.ge [sflag:s4], $0x0  }
0x19: {  	s7 =	sld [smem:$0x3FA0]  }
0x1a: {  	s8 =	sadd.s32 $0xFFFFE003, lr  }
0x1b: {  	s9 =	sadd.s32 $0xFFFFFEF7, lr;
	s5 =	simm.s32 $0xFFFFFFFF;
	p2 =	slt.u32 s8, $0xFFFFF086  }
0x1c: {  	p1 =	slt.u32 s9, $0xF7A;
	s5 =	simm.s32 @!p2 $0x0  }
0x1d: {  	s5 =	simm.s32 @p1 $0x1;
	p0 =	seq.s32 s7, s2  }
0x1e: {  	s7 =	smul.u32 @!p0 $0xF7A, s2;
	p2 =	seq.s32 @!p0 s5, $0x0  }
0x1f: {  	s9 =	smul.u32 $0xF7A, s1;
	s8 =	simm.s32 @!p0 $0x1BF5;
	p2 =	por !p2, p0  }
0x20: {  	[sflag:s8] =	ssyncset.s32 @!p0 $0xFFFFF086;
	s6 =	sadd.s32 @!p0 s3, s7;
	s7 =	simm.s32 @!p0 $0x108  }
0x21: {  	s3 =	sadd.s32 s3, s9;
	s6 =	sadd.s32 @!p0 $0x88, s6;
	s7 =	simm.s32 @p2 $0x1082  }
0x22: {  	[simem:s7], [sflag:s8] =	dma.local @!p0 [hbm:s6], $0xF7A  }
0x23: {  	s9 =	sor.u32 $0xD0000000, s2;
	s6 =	simm.s32 $0x108;
	_ =	swait.ge @!p0 [sflag:s8], $0x0  }
0x24: {  	s3 =	sadd.s32 $0x88, s3;
	s6 =	simm.s32 @!p1 $0x1082;
	[sflag:s4] =	ssyncset.s32 $0xFFFFF086  }
0x25: {  	[simem:s6], [sflag:s4] =	dma.local [hbm:s3], $0xF7A  }
0x26: {  	[smem:$0x3FA0] =	sst s1;
	(tag) =	ssettag s2;
	_ =	strace s9  }
0x27: {  	s1 =	sld [smem:$0x3FB0]  }
0x28: {  	s2 =	sld [smem:$0x3FB1]  }
0x29: {  	s4 =	sld [smem:$0x3FB3]  }
0x2a: {  	p0 =	seq.s32 s5, $0x0;
	s5 =	sld [smem:$0x3FB4]  }
0x2b: {  	s6 =	sld [smem:$0x3FB5]  }
0x2c: {  	s7 =	sld [smem:$0x3FB6]  }
0x2d: {  	s3 =	simm.s32 $0x108;
	s8 =	sld [smem:$0x3FB7]  }
0x2e: {  	s3 =	simm.s32 @!p0 $0x1082;
	s9 =	sld [smem:$0x3FB8]  }
0x2f: {  	lr =	sadd.s32 s0, s3;
	s0 =	sld [smem:$0x3FAF]  }
0x30: {  	s3 =	sld [smem:$0x3FB2]  }
0x31: {  	[smem:$0x3FBB] =	sst s10  }
0x32: {  	s10 =	sld [smem:$0x3FB9];
	_ =	sdelay $0x3  }
0x33: {  	p0 =	seq.s32 s10, $0x1;
	s10 =	sld [smem:$0x3FBB];
	_ =	sdelay $0x3  }
0x34: {  	[smem:$0x3FBB] =	sst s10  }
0x35: {  	s10 =	sld [smem:$0x3FBA];
	_ =	sdelay $0x3  }
0x36: {  	p1 =	seq.s32 s10, $0x1;
	s10 =	sld [smem:$0x3FBB];
	_ =	sdelay $0x3  }
0x37: {  	[smem:$0x3FBB] =	sst s10  }
0x38: {  	s10 =	sld [smem:$0x3FBC]  }
0x39: {  	_ = 	snop;
	(pc) =	sbr.ind lr, $3  }
0x3a: {  	_ = 	snop  }
0x3b: {  	_ = 	snop  }
0x3c: {  	p2 =	seq.s32 s10, $0x1;
	s10 =	sld [smem:$0x3FBB]  }
0x3d: {  	_ =	shalt  }
0x3e: {  	_ =	shalt  }
0x3f: {  	_ =	shalt  }
0x40: {  	_ =	shalt  }
0x41: {  	_ =	shalt  }
0x42: {  	_ =	shalt  }
0x43: {  	_ =	shalt  }
0x44: {  	_ =	shalt  }
0x45: {  	_ =	shalt  }
0x46: {  	_ =	shalt  }
0x47: {  	_ =	shalt  }
0x48: {  	_ =	shalt  }
0x49: {  	_ =	shalt  }
0x4a: {  	_ =	shalt  }
0x4b: {  	_ =	shalt  }
0x4c: {  	_ =	shalt  }
0x4d: {  	_ =	shalt  }
0x4e: {  	_ =	shalt  }
0x4f: {  	_ =	shalt  }
0x50: {  	_ =	shalt  }
0x51: {  	_ =	shalt  }
0x52: {  	_ =	shalt  }
0x53: {  	_ =	shalt  }
0x54: {  	_ =	shalt  }
0x55: {  	_ =	shalt  }
0x56: {  	_ =	shalt  }
0x57: {  	_ =	shalt  }
0x58: {  	_ =	shalt  }
0x59: {  	_ =	shalt  }
0x5a: {  	_ =	shalt  }
0x5b: {  	_ =	shalt  }
0x5c: {  	_ =	shalt  }
0x5d: {  	_ =	shalt  }
0x5e: {  	_ =	shalt  }
0x5f: {  	_ =	shalt  }
0x60: {  	_ =	shalt  }
0x61: {  	_ =	shalt  }
0x62: {  	_ =	shalt  }
0x63: {  	_ =	shalt  }
0x64: {  	_ =	shalt  }
0x65: {  	_ =	shalt  }
0x66: {  	_ =	shalt  }
0x67: {  	_ =	shalt  }
0x68: {  	_ =	shalt  }
0x69: {  	_ =	shalt  }
0x6a: {  	_ =	shalt  }
0x6b: {  	_ =	shalt  }
0x6c: {  	_ =	shalt  }
0x6d: {  	_ =	shalt  }
0x6e: {  	_ =	shalt  }
0x6f: {  	_ =	shalt  }
0x70: {  	_ =	shalt  }
0x71: {  	_ =	shalt  }
0x72: {  	_ =	shalt  }
0x73: {  	_ =	shalt  }
0x74: {  	_ =	shalt  }
0x75: {  	_ =	shalt  }
0x76: {  	_ =	shalt  }
0x77: {  	_ =	shalt  }
0x78: {  	_ =	shalt  }
0x79: {  	_ =	shalt  }
0x7a: {  	_ =	shalt  }
0x7b: {  	_ =	shalt  }
0x7c: {  	_ =	shalt  }
0x7d: {  	_ =	shalt  }
0x7e: {  	_ =	shalt  }
0x7f: {  	_ =	shalt  }
0x80: {  	_ =	shalt  }
0x81: {  	_ =	shalt  }
0x82: {  	_ =	shalt  }
0x83: {  	_ =	shalt  }
0x84: {  	_ =	shalt  }
0x85: {  	_ =	shalt  }
0x86: {  	_ =	shalt  }
0x87: {  	_ =	shalt  }
.Lfunc_end0:
.L_simem_size_0:
called_computation_lowered:
.L_overlay_start_0:
0x88: {  	s2 =	sld [smem:$0x3FD9]  }
0x89: {  	s3 =	sld [smem:$0x3FFE];
	_ =	sdelay $0x1  }
0x8a: {  	s1 =	srdreg.scid  }
0x8b: {  	s0 =	sand.u32 $0x1, s1  }
0x8c: {  	s18 =	sshll.u32 s0, $0xA;
	s2 =	sadd.s32 s3, s2  }
0x8d: {  	s2 =	sadd.s32 s2, s18  }
0x8e: {  	[smem:$0x3FC7] =	sst s2  }
0x8f: {  	_ = 	snop  }
0x90: {  	s2 =	sld [smem:$0x3FC9]  }
0x91: {  	s19 =	sld [smem:$0x3FD0];
	(tm) =	ssettm $0x1  }
0x92: {  	s4 =	sld [smem:$0x3FFB];
	_ =	sdelay $0x3  }
0x93: {  	_ =	strace s4  }
0x94: {  	s4 =	sld [smem:$0x3FFC];
	_ =	sdelay $0x3  }
0x95: {  	_ =	strace s4  }
0x96: {  	s4 =	sld [smem:$0x3FFD];
	_ =	sdelay $0x3  }
0x97: {  	_ =	strace s4  }
0x98: {  	_ =	strace $0x8FFFFFFF  }
0x99: {  	s20 =	sld [smem:$0x3FDB];
	_ =	sdelay $0x1  }
0x9a: {  	s5 =	simm.s32 $_scs_section_size  }
0x9b: {  	s6 =	simm.s32 $_size__tile_overlayer_lowered;
	s7 =	simm.s32 $_tile_overlayer_lowered  }
0x9c: {  	s23 =	simm.s32 $0x1BFF;
	s22 =	sshll.u32 s7, $0x1;
	s4 =	sadd.s32 s5, s20  }
0x9d: {  	s8 =	simm.s32 $0x0;
	s21 =	sshll.u32 s6, $0x1;
	s6 =	sadd.s32 s22, s4  }
0x9e: {  	[timem:s8], [sflag:s23] =	dma.local [hbm:s6], s21  }
0x9f: {  	_ =	swait.ge [sflag:s23], s21  }
0xa0: {  	s5 =	ssub.s32 $0x0, s21;
	[sflag:s23] =	ssyncset.done $0x0  }
0xa1: {  	[sflag:s23] =	ssyncadd.s32 s5;
	_ =	sdelay $0x1  }
0xa2: {  	s24 =	simm.s32 $0x1B8B  }
0xa3: {  	_ =	swait.ge [sflag:s24], $0x1  }
0xa4: {  	[sflag:s24] =	ssyncset.done $0x0  }
0xa5: {  	s25 =	simm.s32 $0x1B8E;
	[sflag:s24] =	ssyncadd.s32 $0xFFFFFFFF  }
0xa6: {  	s26 =	simm.s32 $execute0_lowered;
	[smem:$0x3FD2] =	sst s25  }
0xa7: {  	s5 =	sshll.u32 s26, $0x1;
	_ =	strace $0x80000046;
	[dreg:$0x1] =	wrdreg $0xFFFFFFFF  }
0xa8: {  	s28 =	simm.s32 $_size_execute0_lowered;
	s4 =	sadd.s32 s4, s5;
	[dreg:$0x0] =	wrdreg $0x0  }
0xa9: {  	s5 =	sshll.u32 s28, $0x1;
	[dreg:$0x2] =	wrdreg s4  }
0xaa: {  	[dreg:$0x3] =	wrdreg s5  }
0xab: {  	[dreg:$0x4] =	wrdreg $0xC0  }
0xac: {  	_ =	task [dreg:s8], $0x5FFFF  }
0xad: {  	[dreg:$0x1] =	wrdreg $0xFFFFFFFF  }
0xae: {  	[dreg:$0x0] =	wrdreg $0x60  }
0xaf: {  	[dreg:$0x2] =	wrdreg s2  }
0xb0: {  	[dreg:$0x3] =	wrdreg s19  }
0xb1: {  	[dreg:$0x4] =	wrdreg $0x9  }
0xb2: {  	_ =	task.clear_ibuf [dreg:s8], $0x5FFFF;
	_ =	strace $0x90000046  }
0xb3: {  	s29 =	simm.s32 $0x9;
	_ =	strace $0x80000048  }
0xb4: {  	_ =	swait.ge [sflag:s29], $0x1  }
0xb5: {  	[sflag:s29] =	ssyncadd.s32 $0xFFFFFFFF  }
0xb6: {  	_ =	strace $0x90000048  }
0xb7: {  	_ =	sfence  }
0xb8: {  	s30 =	sld [smem:$0x0];
	_ =	sdelay $0x2  }
0xb9: {  	s31 =	sshll.u32 s1, $0xD;
	s1 =	sshrl.u32 s1, $0x2  }
0xba: {  	s3 =	sand.u32 $0x4000, s31;
	s1 =	sadd.s32 s1, s30  }
0xbb: {  	s0 =	sor.u32 s3, s0;
	s1 =	sshll.u32 s1, $0x11  }
0xbc: {  	s0 =	sor.u32 s1, s0  }
0xbd: {  	s0 =	sadd.s32 $0x8F2B, s0  }
0xbe: {  	[sflag:s0] =	ssyncadd.remote.s32 $0x1  }
0xbf: {  	_ =	sfence.sel $0xFFFF  }
0xc0: {  	[dreg:$0x0] =	wrdreg $0xFFFFFFFF;
	(pc) =	sbr.abs _section_cstart, $3  }
0xc1: {  	[dreg:$0x1] =	wrdreg $0xFFFFFFFF  }
0xc2: {  	_ =	task.clear_ibuf [dreg:s8], $0x2FFFF;
	_ =	strace $0x9FFFFFFF  }
0xc3: {  	(tm) =	ssettm $0x7FFFFFFF  }
tec
execute0_lowered:
.L_overlay_start_1:
0x0: {  	(tag) =	ssettag $0x1  }
0x1: {  	s4 =	rddreg [dreg:$0x0]  }
0x2: {  	s3 =	rddreg [dreg:$0x1]  }
0x3: {  	s0 =	rddreg [dreg:$0x2];
	s2 =	simm.s32 $0x0;
	s5 =	srdreg.scid  }
0x4: {  	s1 =	stileid.u32;
	s14 =	simm.s32 $0x3;
	s15 =	simm.s32 $0x200  }
0x5: {  	s16 =	simm.s32 $0x1000;
	s17 =	simm.s32 $0x20000;
	s18 =	simm.s32 $0xF200  }
0x6: {  	s19 =	simm.s32 $0x1;
	s20 =	simm.s32 $0x2;
	s5 =	sand.u32 $0x1, s5  }
0x7: {  	s7 =	sshll.u32 s1, $0xA;
	s6 =	ssub.s32 $0x2, s5;
	s5 =	sshll.u32 s5, $0x9  }
0x8: {  	s21 =	simm.s32 $0x0;
	[smem:$0x7FF] =	sst s2;
	s5 =	sor.u32 s5, s7  }
0x9: {  	_ =	strace $0x80000047;
	s8 =	sshrl.u32 s6, $0x1;
	s31 =	sshrl.u32 s5, $0x3  }
0xa: {  	s13 =	ssub.s32 s6, s8;
	s3 =	sadd.s32 s3, s5;
	s4 =	sadd.s32 s4, s31  }
0xb: {  	s5 =	sadd.s32 $0x3C000, s3;
	s6 =	sadd.s32 $0x78000, s3;
	s7 =	sadd.s32 $0xB4000, s3  }
0xc: {  	s8 =	sadd.s32 $0xF0000, s3;
	s9 =	sadd.s32 $0x12C000, s3;
	s10 =	sadd.s32 $0x168000, s3  }
0xd: {  	v0 =	vimm.f32 $0.0e+00;
	v1 =	vlaneseq.u32;
	v2 =	vimm.f32 $1.000000000e+00;
	s11 =	sadd.s32 $0x1A4000, s3;
	s12 =	sadd.s32 $0x1E0000, s3;
	s13 =	smax.u32 s13, $0x1  }
.LBB2_1:
0xe: {  	[tilespmem:s2], [sflag:$0x3] =	stream.linear.gather [hbm4b:s4+s2], $0x200, $0x38;
	[tilespmem:$0x1E200] =	vst v63  }
0xf: {  	_ =	swait.ge [sflag:s14], $0x200  }
0x10: {  	s22 =	sand.u32 $0xF000, s2;
	s23 =	sand.u32 $0x380, s2;
	[sflag:s14] =	ssyncset.done $0x0  }
0x11: {  	s22 =	sor.u32 s23, s22;
	[sflag:s14] =	ssyncadd.s32 $0xFFFFFE00  }
0x12: {  	[tilespmem:s22+$0xE70] =	vst v0  }
0x13: {  	[tilespmem:s22+$0x200] =	vst v0  }
0x14: {  	[tilespmem:s22+$0x210] =	vst v0  }
0x15: {  	[tilespmem:s22+$0x220] =	vst v0  }
0x16: {  	[tilespmem:s22+$0x230] =	vst v0  }
0x17: {  	[tilespmem:s22+$0x240] =	vst v0  }
0x18: {  	[tilespmem:s22+$0x250] =	vst v0  }
0x19: {  	[tilespmem:s22+$0x260] =	vst v0  }
0x1a: {  	[tilespmem:s22+$0x270] =	vst v0  }
0x1b: {  	[tilespmem:s22+$0x600] =	vst v0  }
0x1c: {  	[tilespmem:s22+$0x610] =	vst v0  }
0x1d: {  	[tilespmem:s22+$0x620] =	vst v0  }
0x1e: {  	[tilespmem:s22+$0x630] =	vst v0  }
0x1f: {  	[tilespmem:s22+$0x640] =	vst v0  }
0x20: {  	[tilespmem:s22+$0x650] =	vst v0  }
0x21: {  	[tilespmem:s22+$0x660] =	vst v0  }
0x22: {  	[tilespmem:s22+$0x670] =	vst v0  }
0x23: {  	[tilespmem:s22+$0xA00] =	vst v0  }
0x24: {  	[tilespmem:s22+$0xA10] =	vst v0  }
0x25: {  	[tilespmem:s22+$0xA20] =	vst v0  }
0x26: {  	[tilespmem:s22+$0xA30] =	vst v0  }
0x27: {  	[tilespmem:s22+$0xA40] =	vst v0  }
0x28: {  	[tilespmem:s22+$0xA50] =	vst v0  }
0x29: {  	[tilespmem:s22+$0xA60] =	vst v0  }
0x2a: {  	[tilespmem:s22+$0xA70] =	vst v0  }
0x2b: {  	[tilespmem:s22+$0xE00] =	vst v0  }
0x2c: {  	[tilespmem:s22+$0xE10] =	vst v0  }
0x2d: {  	[tilespmem:s22+$0xE20] =	vst v0  }
0x2e: {  	[tilespmem:s22+$0xE30] =	vst v0  }
0x2f: {  	s24 =	simm.s32 $0x200;
	s23 =	simm.s32 $0x80;
	[tilespmem:s22+$0xE40] =	vst v0  }
0x30: {  	s25 =	sand.u32 $0xF000, s24;
	s24 =	simm.s32 $0x400;
	s26 =	sand.u32 $0x380, s23;
	[tilespmem:s22+$0xE50] =	vst v0  }
.LBB2_2:
0x31: {  	p0 =	sne.s32 s24, $0xEE00;
	[tilespmem:s22+$0xE60] =	vst v0;
	s22 =	sor.u32 s26, s25  }
0x32: {  	[tilespmem:s22+$0xE70] =	vst v0  }
0x33: {  	[tilespmem:s22+$0x200] =	vst v0  }
0x34: {  	[tilespmem:s22+$0x210] =	vst v0  }
0x35: {  	[tilespmem:s22+$0x220] =	vst v0  }
0x36: {  	[tilespmem:s22+$0x230] =	vst v0  }
0x37: {  	[tilespmem:s22+$0x240] =	vst v0  }
0x38: {  	[tilespmem:s22+$0x250] =	vst v0  }
0x39: {  	[tilespmem:s22+$0x260] =	vst v0  }
0x3a: {  	[tilespmem:s22+$0x270] =	vst v0  }
0x3b: {  	[tilespmem:s22+$0x600] =	vst v0  }
0x3c: {  	[tilespmem:s22+$0x610] =	vst v0  }
0x3d: {  	[tilespmem:s22+$0x620] =	vst v0  }
0x3e: {  	[tilespmem:s22+$0x630] =	vst v0  }
0x3f: {  	[tilespmem:s22+$0x640] =	vst v0  }
0x40: {  	[tilespmem:s22+$0x650] =	vst v0  }
0x41: {  	[tilespmem:s22+$0x660] =	vst v0  }
0x42: {  	[tilespmem:s22+$0x670] =	vst v0  }
0x43: {  	[tilespmem:s22+$0xA00] =	vst v0  }
0x44: {  	[tilespmem:s22+$0xA10] =	vst v0  }
0x45: {  	[tilespmem:s22+$0xA20] =	vst v0  }
0x46: {  	[tilespmem:s22+$0xA30] =	vst v0  }
0x47: {  	[tilespmem:s22+$0xA40] =	vst v0  }
0x48: {  	[tilespmem:s22+$0xA50] =	vst v0  }
0x49: {  	[tilespmem:s22+$0xA60] =	vst v0  }
0x4a: {  	[tilespmem:s22+$0xA70] =	vst v0  }
0x4b: {  	[tilespmem:s22+$0xE00] =	vst v0  }
.Ltmp0:
0x4c: {  	[tilespmem:s22+$0xE10] =	vst v0;
	(pc) =	sbr.rel @p0 .LBB2_2-.Ltmp0, $4  }
0x4d: {  	[tilespmem:s22+$0xE20] =	vst v0  }
0x4e: {  	[tilespmem:s22+$0xE30] =	vst v0  }
0x4f: {  	s23 =	sadd.s32 $0x80, s23;
	[tilespmem:s22+$0xE40] =	vst v0  }
0x50: {  	s25 =	sand.u32 $0xF000, s24;
	s24 =	sadd.s32 $0x200, s24;
	s26 =	sand.u32 $0x380, s23;
	[tilespmem:s22+$0xE50] =	vst v0  }
0x51: {  	s23 =	sor.u32 s26, s25;
	[tilespmem:s22+$0xE60] =	vst v0  }
0x52: {  	[tilespmem:s23+$0xE70] =	vst v0  }
0x53: {  	[tilespmem:s23+$0x200] =	vst v0  }
0x54: {  	[tilespmem:s23+$0x210] =	vst v0  }
0x55: {  	[tilespmem:s23+$0x220] =	vst v0  }
0x56: {  	[tilespmem:s23+$0x230] =	vst v0  }
0x57: {  	[tilespmem:s23+$0x240] =	vst v0  }
0x58: {  	[tilespmem:s23+$0x250] =	vst v0  }
0x59: {  	[tilespmem:s23+$0x260] =	vst v0  }
0x5a: {  	[tilespmem:s23+$0x270] =	vst v0  }
0x5b: {  	[tilespmem:s23+$0x600] =	vst v0  }
0x5c: {  	[tilespmem:s23+$0x610] =	vst v0  }
0x5d: {  	[tilespmem:s23+$0x620] =	vst v0  }
0x5e: {  	[tilespmem:s23+$0x630] =	vst v0  }
0x5f: {  	[tilespmem:s23+$0x640] =	vst v0  }
0x60: {  	[tilespmem:s23+$0x650] =	vst v0  }
0x61: {  	[tilespmem:s23+$0x660] =	vst v0  }
0x62: {  	[tilespmem:s23+$0x670] =	vst v0  }
0x63: {  	[tilespmem:s23+$0xA00] =	vst v0  }
0x64: {  	[tilespmem:s23+$0xA10] =	vst v0  }
0x65: {  	[tilespmem:s23+$0xA20] =	vst v0  }
0x66: {  	[tilespmem:s23+$0xA30] =	vst v0  }
0x67: {  	[tilespmem:s23+$0xA40] =	vst v0  }
0x68: {  	[tilespmem:s23+$0xA50] =	vst v0  }
0x69: {  	[tilespmem:s23+$0xA60] =	vst v0  }
0x6a: {  	[tilespmem:s23+$0xA70] =	vst v0  }
0x6b: {  	[tilespmem:s23+$0xE00] =	vst v0  }
0x6c: {  	[tilespmem:s23+$0xE10] =	vst v0  }
0x6d: {  	[tilespmem:s23+$0xE20] =	vst v0  }
0x6e: {  	[tilespmem:s23+$0xE30] =	vst v0  }
0x6f: {  	[tilespmem:s23+$0xE40] =	vst v0  }
0x70: {  	[tilespmem:s23+$0xE50] =	vst v0  }
0x71: {  	s22 =	simm.s32 $0x0;
	[tilespmem:s23+$0xE60] =	vst v0  }
0x72: {  	s24 =	simm.s32 $0x0;
	s23 =	simm.s32 $0x10;
	v3 =	vld [tilespmem:s22+$0x0]  }
.LBB2_4:
0x73: {  	p0 =	sne.s32 s23, $0x1F0;
	_ =	sdelay $0x3  }
0x74: {  	v4 =	vmov s22;
	vm0 =	vlt.u32 v3, $0x78  }
0x75: {  	v5 =	vor.u32 s22, v1;
	s22 =	smov.u32 s23;
	v4 =	vshll.u32 v4, $0x3;
	v3 =	vnsel vm0, $0x0, v3  }
0x76: {  	v5 =	vand.u32 $0x7F, v5;
	v4 =	vand.u32 $0xC00, v4;
	v6 =	vshll.u32 v3, $0x9  }
0x77: {  	v4 =	vor.u32 v4, v5;
	v3 =	vshll.u32 v3, $0x7;
	v6 =	vand.u32 $0xFFFFF000, v6  }
0x78: {  	v3 =	vand.u32 $0x380, v3;
	v4 =	vor.u32 v6, v4  }
0x79: {  	v3 =	vor.u32 v3, v4;
	_ =	sdelay $0x1  }
.Ltmp1:
0x7a: {  	(pc) =	sbr.rel @p0 .LBB2_4-.Ltmp1, $3  }
0x7b: {  	_ =	sdelay $0x1  }
0x7c: {  	s24 =	sadd.s32 $0x10, s24;
	[tilespmem:v3+s15+$0x0] =	vst.idx.msk vm0, v2  }
0x7d: {  	s23 =	sadd.s32 $0x10, s23;
	v3 =	vld [tilespmem:s24+$0x0]  }
0x7e: {  	_ =	sdelay $0x3  }
0x7f: {  	v4 =	vmov s22;
	vm0 =	vlt.u32 v3, $0x78  }
0x80: {  	v5 =	vor.u32 s22, v1;
	v4 =	vshll.u32 v4, $0x3;
	v3 =	vnsel vm0, $0x0, v3  }
0x81: {  	v5 =	vand.u32 $0x7F, v5;
	v4 =	vand.u32 $0xC00, v4;
	v6 =	vshll.u32 v3, $0x9  }
0x82: {  	v4 =	vor.u32 v4, v5;
	v3 =	vshll.u32 v3, $0x7;
	v6 =	vand.u32 $0xFFFFF000, v6  }
0x83: {  	v3 =	vand.u32 $0x380, v3;
	v4 =	vor.u32 v6, v4  }
0x84: {  	v3 =	vor.u32 v3, v4;
	_ =	sdelay $0x2  }
0x85: {  	s22 =	simm.s32 $0x0  }
0x86: {  	s23 =	sand.u32 $0xF000, s22;
	s24 =	sand.u32 $0x380, s22  }
0x87: {  	s23 =	sor.u32 s24, s23;
	[tilespmem:v3+s15+$0x0] =	vst.idx.msk vm0, v2  }
0x88: {  	[hbm4b:s3+s16] =	stream.strided.scatter [tilespmem:s15], [sflag:$0x1], $0xF000, s17, s16, $0x38;
	[tilespmem:$0x1E200] =	vst v63  }
0x89: {  	[tilespmem:s23+$0xFE70] =	vst v0  }
0x8a: {  	[tilespmem:s23+$0xF200] =	vst v0  }
0x8b: {  	[tilespmem:s23+$0xF210] =	vst v0  }
0x8c: {  	[tilespmem:s23+$0xF220] =	vst v0  }
0x8d: {  	[tilespmem:s23+$0xF230] =	vst v0  }
0x8e: {  	[tilespmem:s23+$0xF240] =	vst v0  }
0x8f: {  	[tilespmem:s23+$0xF250] =	vst v0  }
0x90: {  	[tilespmem:s23+$0xF260] =	vst v0  }
0x91: {  	[tilespmem:s23+$0xF270] =	vst v0  }
0x92: {  	[tilespmem:s23+$0xF600] =	vst v0  }
0x93: {  	[tilespmem:s23+$0xF610] =	vst v0  }
0x94: {  	[tilespmem:s23+$0xF620] =	vst v0  }
0x95: {  	[tilespmem:s23+$0xF630] =	vst v0  }
0x96: {  	[tilespmem:s23+$0xF640] =	vst v0  }
0x97: {  	[tilespmem:s23+$0xF650] =	vst v0  }
0x98: {  	[tilespmem:s23+$0xF660] =	vst v0  }
0x99: {  	[tilespmem:s23+$0xF670] =	vst v0  }
0x9a: {  	[tilespmem:s23+$0xFA00] =	vst v0  }
0x9b: {  	[tilespmem:s23+$0xFA10] =	vst v0  }
0x9c: {  	[tilespmem:s23+$0xFA20] =	vst v0  }
0x9d: {  	[tilespmem:s23+$0xFA30] =	vst v0  }
0x9e: {  	[tilespmem:s23+$0xFA40] =	vst v0  }
0x9f: {  	[tilespmem:s23+$0xFA50] =	vst v0  }
0xa0: {  	[tilespmem:s23+$0xFA60] =	vst v0  }
0xa1: {  	[tilespmem:s23+$0xFA70] =	vst v0  }
0xa2: {  	[tilespmem:s23+$0xFE00] =	vst v0  }
0xa3: {  	[tilespmem:s23+$0xFE10] =	vst v0  }
0xa4: {  	[tilespmem:s23+$0xFE20] =	vst v0  }
0xa5: {  	[tilespmem:s23+$0xFE30] =	vst v0  }
0xa6: {  	s25 =	simm.s32 $0x200;
	s24 =	simm.s32 $0x80;
	[tilespmem:s23+$0xFE40] =	vst v0  }
0xa7: {  	s26 =	sand.u32 $0xF000, s25;
	s25 =	simm.s32 $0x400;
	s28 =	sand.u32 $0x380, s24;
	[tilespmem:s23+$0xFE50] =	vst v0  }
.LBB2_6:
0xa8: {  	p0 =	sne.s32 s25, $0xEE00;
	[tilespmem:s23+$0xFE60] =	vst v0;
	s23 =	sor.u32 s28, s26  }
0xa9: {  	[tilespmem:s23+$0xFE70] =	vst v0  }
0xaa: {  	[tilespmem:s23+$0xF200] =	vst v0  }
0xab: {  	[tilespmem:s23+$0xF210] =	vst v0  }
0xac: {  	[tilespmem:s23+$0xF220] =	vst v0  }
0xad: {  	[tilespmem:s23+$0xF230] =	vst v0  }
0xae: {  	[tilespmem:s23+$0xF240] =	vst v0  }
0xaf: {  	[tilespmem:s23+$0xF250] =	vst v0  }
0xb0: {  	[tilespmem:s23+$0xF260] =	vst v0  }
0xb1: {  	[tilespmem:s23+$0xF270] =	vst v0  }
0xb2: {  	[tilespmem:s23+$0xF600] =	vst v0  }
0xb3: {  	[tilespmem:s23+$0xF610] =	vst v0  }
0xb4: {  	[tilespmem:s23+$0xF620] =	vst v0  }
0xb5: {  	[tilespmem:s23+$0xF630] =	vst v0  }
0xb6: {  	[tilespmem:s23+$0xF640] =	vst v0  }
0xb7: {  	[tilespmem:s23+$0xF650] =	vst v0  }
0xb8: {  	[tilespmem:s23+$0xF660] =	vst v0  }
0xb9: {  	[tilespmem:s23+$0xF670] =	vst v0  }
0xba: {  	[tilespmem:s23+$0xFA00] =	vst v0  }
0xbb: {  	[tilespmem:s23+$0xFA10] =	vst v0  }
0xbc: {  	[tilespmem:s23+$0xFA20] =	vst v0  }
0xbd: {  	[tilespmem:s23+$0xFA30] =	vst v0  }
0xbe: {  	[tilespmem:s23+$0xFA40] =	vst v0  }
0xbf: {  	[tilespmem:s23+$0xFA50] =	vst v0  }
0xc0: {  	[tilespmem:s23+$0xFA60] =	vst v0  }
0xc1: {  	[tilespmem:s23+$0xFA70] =	vst v0  }
0xc2: {  	[tilespmem:s23+$0xFE00] =	vst v0  }
.Ltmp2:
0xc3: {  	[tilespmem:s23+$0xFE10] =	vst v0;
	(pc) =	sbr.rel @p0 .LBB2_6-.Ltmp2, $4  }
0xc4: {  	[tilespmem:s23+$0xFE20] =	vst v0  }
0xc5: {  	[tilespmem:s23+$0xFE30] =	vst v0  }
0xc6: {  	s24 =	sadd.s32 $0x80, s24;
	[tilespmem:s23+$0xFE40] =	vst v0  }
0xc7: {  	s26 =	sand.u32 $0xF000, s25;
	s25 =	sadd.s32 $0x200, s25;
	s28 =	sand.u32 $0x380, s24;
	[tilespmem:s23+$0xFE50] =	vst v0  }
0xc8: {  	s24 =	sor.u32 s28, s26;
	[tilespmem:s23+$0xFE60] =	vst v0  }
0xc9: {  	[tilespmem:s24+$0xFE70] =	vst v0  }
0xca: {  	[tilespmem:s24+$0xF200] =	vst v0  }
0xcb: {  	[tilespmem:s24+$0xF210] =	vst v0  }
0xcc: {  	[tilespmem:s24+$0xF220] =	vst v0  }
0xcd: {  	[tilespmem:s24+$0xF230] =	vst v0  }
0xce: {  	[tilespmem:s24+$0xF240] =	vst v0  }
0xcf: {  	[tilespmem:s24+$0xF250] =	vst v0  }
0xd0: {  	[tilespmem:s24+$0xF260] =	vst v0  }
0xd1: {  	[tilespmem:s24+$0xF270] =	vst v0  }
0xd2: {  	[tilespmem:s24+$0xF600] =	vst v0  }
0xd3: {  	[tilespmem:s24+$0xF610] =	vst v0  }
0xd4: {  	[tilespmem:s24+$0xF620] =	vst v0  }
0xd5: {  	[tilespmem:s24+$0xF630] =	vst v0  }
0xd6: {  	[tilespmem:s24+$0xF640] =	vst v0  }
0xd7: {  	[tilespmem:s24+$0xF650] =	vst v0  }
0xd8: {  	[tilespmem:s24+$0xF660] =	vst v0  }
0xd9: {  	[tilespmem:s24+$0xF670] =	vst v0  }
0xda: {  	[tilespmem:s24+$0xFA00] =	vst v0  }
0xdb: {  	[tilespmem:s24+$0xFA10] =	vst v0  }
0xdc: {  	[tilespmem:s24+$0xFA20] =	vst v0  }
0xdd: {  	[tilespmem:s24+$0xFA30] =	vst v0  }
0xde: {  	[tilespmem:s24+$0xFA40] =	vst v0  }
0xdf: {  	[tilespmem:s24+$0xFA50] =	vst v0  }
0xe0: {  	[tilespmem:s24+$0xFA60] =	vst v0  }
0xe1: {  	[tilespmem:s24+$0xFA70] =	vst v0  }
0xe2: {  	[tilespmem:s24+$0xFE00] =	vst v0  }
0xe3: {  	[tilespmem:s24+$0xFE10] =	vst v0  }
0xe4: {  	[tilespmem:s24+$0xFE20] =	vst v0  }
0xe5: {  	[tilespmem:s24+$0xFE30] =	vst v0  }
0xe6: {  	[tilespmem:s24+$0xFE40] =	vst v0  }
0xe7: {  	[tilespmem:s24+$0xFE50] =	vst v0  }
0xe8: {  	[tilespmem:s24+$0xFE60] =	vst v0  }
0xe9: {  	s23 =	simm.s32 $0x10;
	s24 =	simm.s32 $0x0;
	v3 =	vld [tilespmem:s22+$0x0]  }
.LBB2_8:
0xea: {  	p0 =	sne.s32 s23, $0x1F0;
	_ =	sdelay $0x3  }
0xeb: {  	v3 =	vadd.s32 $0xFFFFFF88, v3  }
0xec: {  	v4 =	vmov s22;
	vm0 =	vlt.u32 v3, $0x78  }
0xed: {  	v5 =	vor.u32 s22, v1;
	s22 =	smov.u32 s23;
	v4 =	vshll.u32 v4, $0x3;
	v3 =	vnsel vm0, $0x0, v3  }
0xee: {  	v5 =	vand.u32 $0x7F, v5;
	v4 =	vand.u32 $0xC00, v4;
	v6 =	vshll.u32 v3, $0x9  }
0xef: {  	v4 =	vor.u32 v4, v5;
	v3 =	vshll.u32 v3, $0x7;
	v6 =	vand.u32 $0xFFFFF000, v6  }
0xf0: {  	v3 =	vand.u32 $0x380, v3;
	v4 =	vor.u32 v6, v4  }
0xf1: {  	v3 =	vor.u32 v3, v4;
	_ =	sdelay $0x1  }
.Ltmp3:
0xf2: {  	(pc) =	sbr.rel @p0 .LBB2_8-.Ltmp3, $3  }
0xf3: {  	_ =	sdelay $0x1  }
0xf4: {  	s24 =	sadd.s32 $0x10, s24;
	[tilespmem:v3+s18+$0x0] =	vst.idx.msk vm0, v2  }
0xf5: {  	s23 =	sadd.s32 $0x10, s23;
	v3 =	vld [tilespmem:s24+$0x0]  }
0xf6: {  	_ =	sdelay $0x3  }
0xf7: {  	v3 =	vadd.s32 $0xFFFFFF88, v3  }
0xf8: {  	v4 =	vmov s22;
	vm0 =	vlt.u32 v3, $0x78  }
0xf9: {  	v5 =	vor.u32 s22, v1;
	v4 =	vshll.u32 v4, $0x3;
	v3 =	vnsel vm0, $0x0, v3  }
0xfa: {  	v5 =	vand.u32 $0x7F, v5;
	v4 =	vand.u32 $0xC00, v4;
	v6 =	vshll.u32 v3, $0x9  }
0xfb: {  	v4 =	vor.u32 v4, v5;
	v3 =	vshll.u32 v3, $0x7;
	v6 =	vand.u32 $0xFFFFF000, v6  }
0xfc: {  	v3 =	vand.u32 $0x380, v3;
	v4 =	vor.u32 v6, v4  }
0xfd: {  	v3 =	vor.u32 v3, v4;
	_ =	sdelay $0x4  }
0xfe: {  	[tilespmem:v3+s18+$0x0] =	vst.idx.msk vm0, v2  }
0xff: {  	[hbm4b:s5+s16] =	stream.strided.scatter [tilespmem:s18], [sflag:$0x2], $0xF000, s17, s16, $0x38;
	[tilespmem:$0x1E200] =	vst v63  }
0x100: {  	_ =	swait.ge [sflag:s19], $0xF000  }
0x101: {  	[sflag:s19] =	ssyncset.done $0x0  }
0x102: {  	s22 =	simm.s32 $0x0;
	[sflag:s19] =	ssyncadd.s32 $0xFFFF1000  }
0x103: {  	s24 =	simm.s32 $0x10;
	s23 =	simm.s32 $0x0;
	s25 =	simm.s32 $0x0;
	v3 =	vld [tilespmem:s22+$0x0]  }
.LBB2_10:
0x104: {  	p0 =	sne.s32 s24, $0x1F0;
	_ =	sdelay $0x3  }
0x105: {  	v4 =	vmov s23;
	vm0 =	vlt.u32 v3, $0x78  }
0x106: {  	v5 =	vor.u32 s23, v1;
	s23 =	smov.u32 s24;
	v4 =	vshll.u32 v4, $0x3;
	v3 =	vnsel vm0, $0x0, v3  }
0x107: {  	v5 =	vand.u32 $0x7F, v5;
	v4 =	vand.u32 $0xC00, v4;
	v6 =	vshll.u32 v3, $0x9  }
0x108: {  	v4 =	vor.u32 v4, v5;
	v3 =	vshll.u32 v3, $0x7;
	v6 =	vand.u32 $0xFFFFF000, v6  }
0x109: {  	v3 =	vand.u32 $0x380, v3;
	v4 =	vor.u32 v6, v4  }
0x10a: {  	v3 =	vor.u32 v3, v4;
	_ =	sdelay $0x1  }
.Ltmp4:
0x10b: {  	(pc) =	sbr.rel @p0 .LBB2_10-.Ltmp4, $3  }
0x10c: {  	_ =	sdelay $0x1  }
0x10d: {  	s25 =	sadd.s32 $0x10, s25;
	[tilespmem:v3+s15+$0x0] =	vst.idx.msk vm0, v0  }
0x10e: {  	s24 =	sadd.s32 $0x10, s24;
	v3 =	vld [tilespmem:s25+$0x0]  }
0x10f: {  	_ =	sdelay $0x3  }
0x110: {  	v4 =	vmov s23;
	vm0 =	vlt.u32 v3, $0x78  }
0x111: {  	v5 =	vor.u32 s23, v1;
	v4 =	vshll.u32 v4, $0x3;
	v3 =	vnsel vm0, $0x0, v3  }
0x112: {  	v5 =	vand.u32 $0x7F, v5;
	v4 =	vand.u32 $0xC00, v4;
	v6 =	vshll.u32 v3, $0x9  }
0x113: {  	v4 =	vor.u32 v4, v5;
	v3 =	vshll.u32 v3, $0x7;
	v6 =	vand.u32 $0xFFFFF000, v6  }
0x114: {  	v3 =	vand.u32 $0x380, v3;
	v4 =	vor.u32 v6, v4  }
0x115: {  	v3 =	vor.u32 v3, v4;
	_ =	sdelay $0x4  }
0x116: {  	[tilespmem:v3+s15+$0x0] =	vst.idx.msk vm0, v0  }
0x117: {  	s23 =	simm.s32 $0x10;
	s24 =	simm.s32 $0x0;
	v3 =	vld [tilespmem:s22+$0x0]  }
.LBB2_12:
0x118: {  	p0 =	sne.s32 s23, $0x1F0;
	_ =	sdelay $0x3  }
0x119: {  	v3 =	vadd.s32 $0xFFFFFF10, v3  }
0x11a: {  	v4 =	vmov s22;
	vm0 =	vlt.u32 v3, $0x78  }
0x11b: {  	v5 =	vor.u32 s22, v1;
	s22 =	smov.u32 s23;
	v4 =	vshll.u32 v4, $0x3;
	v3 =	vnsel vm0, $0x0, v3  }
0x11c: {  	v5 =	vand.u32 $0x7F, v5;
	v4 =	vand.u32 $0xC00, v4;
	v6 =	vshll.u32 v3, $0x9  }
0x11d: {  	v4 =	vor.u32 v4, v5;
	v3 =	vshll.u32 v3, $0x7;
	v6 =	vand.u32 $0xFFFFF000, v6  }
0x11e: {  	v3 =	vand.u32 $0x380, v3;
	v4 =	vor.u32 v6, v4  }
0x11f: {  	v3 =	vor.u32 v3, v4;
	_ =	sdelay $0x1  }
.Ltmp5:
0x120: {  	(pc) =	sbr.rel @p0 .LBB2_12-.Ltmp5, $3  }
0x121: {  	_ =	sdelay $0x1  }
0x122: {  	s24 =	sadd.s32 $0x10, s24;
	[tilespmem:v3+s15+$0x0] =	vst.idx.msk vm0, v2  }
0x123: {  	s23 =	sadd.s32 $0x10, s23;
	v3 =	vld [tilespmem:s24+$0x0]  }
0x124: {  	_ =	sdelay $0x3  }
0x125: {  	v3 =	vadd.s32 $0xFFFFFF10, v3  }
0x126: {  	v4 =	vmov s22;
	vm0 =	vlt.u32 v3, $0x78  }
0x127: {  	v5 =	vor.u32 s22, v1;
	v4 =	vshll.u32 v4, $0x3;
	v3 =	vnsel vm0, $0x0, v3  }
0x128: {  	v5 =	vand.u32 $0x7F, v5;
	v4 =	vand.u32 $0xC00, v4;
	v6 =	vshll.u32 v3, $0x9  }
0x129: {  	v4 =	vor.u32 v4, v5;
	v3 =	vshll.u32 v3, $0x7;
	v6 =	vand.u32 $0xFFFFF000, v6  }
0x12a: {  	v3 =	vand.u32 $0x380, v3;
	v4 =	vor.u32 v6, v4  }
0x12b: {  	v3 =	vor.u32 v3, v4;
	_ =	sdelay $0x4  }
0x12c: {  	[tilespmem:v3+s15+$0x0] =	vst.idx.msk vm0, v2  }
0x12d: {  	[hbm4b:s6+s16] =	stream.strided.scatter [tilespmem:s15], [sflag:$0x1], $0xF000, s17, s16, $0x38;
	[tilespmem:$0x1E200] =	vst v63  }
0x12e: {  	_ =	swait.ge [sflag:s20], $0xF000  }
0x12f: {  	[sflag:s20] =	ssyncset.done $0x0  }
0x130: {  	s22 =	simm.s32 $0x0;
	[sflag:s20] =	ssyncadd.s32 $0xFFFF1000  }
0x131: {  	s24 =	simm.s32 $0x10;
	s23 =	simm.s32 $0x0;
	s25 =	simm.s32 $0x0;
	v3 =	vld [tilespmem:s22+$0x0]  }
.LBB2_14:
0x132: {  	p0 =	sne.s32 s24, $0x1F0;
	_ =	sdelay $0x3  }
0x133: {  	v3 =	vadd.s32 $0xFFFFFF88, v3  }
0x134: {  	v4 =	vmov s23;
	vm0 =	vlt.u32 v3, $0x78  }
0x135: {  	v5 =	vor.u32 s23, v1;
	s23 =	smov.u32 s24;
	v4 =	vshll.u32 v4, $0x3;
	v3 =	vnsel vm0, $0x0, v3  }
0x136: {  	v5 =	vand.u32 $0x7F, v5;
	v4 =	vand.u32 $0xC00, v4;
	v6 =	vshll.u32 v3, $0x9  }
0x137: {  	v4 =	vor.u32 v4, v5;
	v3 =	vshll.u32 v3, $0x7;
	v6 =	vand.u32 $0xFFFFF000, v6  }
0x138: {  	v3 =	vand.u32 $0x380, v3;
	v4 =	vor.u32 v6, v4  }
0x139: {  	v3 =	vor.u32 v3, v4;
	_ =	sdelay $0x1  }
.Ltmp6:
0x13a: {  	(pc) =	sbr.rel @p0 .LBB2_14-.Ltmp6, $3  }
0x13b: {  	_ =	sdelay $0x1  }
0x13c: {  	s25 =	sadd.s32 $0x10, s25;
	[tilespmem:v3+s18+$0x0] =	vst.idx.msk vm0, v0  }
0x13d: {  	s24 =	sadd.s32 $0x10, s24;
	v3 =	vld [tilespmem:s25+$0x0]  }
0x13e: {  	_ =	sdelay $0x3  }
0x13f: {  	v3 =	vadd.s32 $0xFFFFFF88, v3  }
0x140: {  	v4 =	vmov s23;
	vm0 =	vlt.u32 v3, $0x78  }
0x141: {  	v5 =	vor.u32 s23, v1;
	v4 =	vshll.u32 v4, $0x3;
	v3 =	vnsel vm0, $0x0, v3  }
0x142: {  	v5 =	vand.u32 $0x7F, v5;
	v4 =	vand.u32 $0xC00, v4;
	v6 =	vshll.u32 v3, $0x9  }
0x143: {  	v4 =	vor.u32 v4, v5;
	v3 =	vshll.u32 v3, $0x7;
	v6 =	vand.u32 $0xFFFFF000, v6  }
0x144: {  	v3 =	vand.u32 $0x380, v3;
	v4 =	vor.u32 v6, v4  }
0x145: {  	v3 =	vor.u32 v3, v4;
	_ =	sdelay $0x4  }
0x146: {  	[tilespmem:v3+s18+$0x0] =	vst.idx.msk vm0, v0  }
0x147: {  	s23 =	simm.s32 $0x10;
	s24 =	simm.s32 $0x0;
	v3 =	vld [tilespmem:s22+$0x0]  }
.LBB2_16:
0x148: {  	p0 =	sne.s32 s23, $0x1F0;
	_ =	sdelay $0x3  }
0x149: {  	v3 =	vadd.s32 $0xFFFFFE98, v3  }
0x14a: {  	v4 =	vmov s22;
	vm0 =	vlt.u32 v3, $0x78  }
0x14b: {  	v5 =	vor.u32 s22, v1;
	s22 =	smov.u32 s23;
	v4 =	vshll.u32 v4, $0x3;
	v3 =	vnsel vm0, $0x0, v3  }
0x14c: {  	v5 =	vand.u32 $0x7F, v5;
	v4 =	vand.u32 $0xC00, v4;
	v6 =	vshll.u32 v3, $0x9  }
0x14d: {  	v4 =	vor.u32 v4, v5;
	v3 =	vshll.u32 v3, $0x7;
	v6 =	vand.u32 $0xFFFFF000, v6  }
0x14e: {  	v3 =	vand.u32 $0x380, v3;
	v4 =	vor.u32 v6, v4  }
0x14f: {  	v3 =	vor.u32 v3, v4;
	_ =	sdelay $0x1  }
.Ltmp7:
0x150: {  	(pc) =	sbr.rel @p0 .LBB2_16-.Ltmp7, $3  }
0x151: {  	_ =	sdelay $0x1  }
0x152: {  	s24 =	sadd.s32 $0x10, s24;
	[tilespmem:v3+s18+$0x0] =	vst.idx.msk vm0, v2  }
0x153: {  	s23 =	sadd.s32 $0x10, s23;
	v3 =	vld [tilespmem:s24+$0x0]  }
0x154: {  	_ =	sdelay $0x3  }
0x155: {  	v3 =	vadd.s32 $0xFFFFFE98, v3  }
0x156: {  	v4 =	vmov s22;
	vm0 =	vlt.u32 v3, $0x78  }
0x157: {  	v5 =	vor.u32 s22, v1;
	v4 =	vshll.u32 v4, $0x3;
	v3 =	vnsel vm0, $0x0, v3  }
0x158: {  	v5 =	vand.u32 $0x7F, v5;
	v4 =	vand.u32 $0xC00, v4;
	v6 =	vshll.u32 v3, $0x9  }
0x159: {  	v4 =	vor.u32 v4, v5;
	v3 =	vshll.u32 v3, $0x7;
	v6 =	vand.u32 $0xFFFFF000, v6  }
0x15a: {  	v3 =	vand.u32 $0x380, v3;
	v4 =	vor.u32 v6, v4  }
0x15b: {  	v3 =	vor.u32 v3, v4;
	_ =	sdelay $0x4  }
0x15c: {  	[tilespmem:v3+s18+$0x0] =	vst.idx.msk vm0, v2  }
0x15d: {  	[hbm4b:s7+s16] =	stream.strided.scatter [tilespmem:s18], [sflag:$0x2], $0xF000, s17, s16, $0x38;
	[tilespmem:$0x1E200] =	vst v63  }
0x15e: {  	_ =	swait.ge [sflag:s19], $0xF000  }
0x15f: {  	[sflag:s19] =	ssyncset.done $0x0  }
0x160: {  	s22 =	simm.s32 $0x0;
	[sflag:s19] =	ssyncadd.s32 $0xFFFF1000  }
0x161: {  	s24 =	simm.s32 $0x10;
	s23 =	simm.s32 $0x0;
	s25 =	simm.s32 $0x0;
	v3 =	vld [tilespmem:s22+$0x0]  }
.LBB2_18:
0x162: {  	p0 =	sne.s32 s24, $0x1F0;
	_ =	sdelay $0x3  }
0x163: {  	v3 =	vadd.s32 $0xFFFFFF10, v3  }
0x164: {  	v4 =	vmov s23;
	vm0 =	vlt.u32 v3, $0x78  }
0x165: {  	v5 =	vor.u32 s23, v1;
	s23 =	smov.u32 s24;
	v4 =	vshll.u32 v4, $0x3;
	v3 =	vnsel vm0, $0x0, v3  }
0x166: {  	v5 =	vand.u32 $0x7F, v5;
	v4 =	vand.u32 $0xC00, v4;
	v6 =	vshll.u32 v3, $0x9  }
0x167: {  	v4 =	vor.u32 v4, v5;
	v3 =	vshll.u32 v3, $0x7;
	v6 =	vand.u32 $0xFFFFF000, v6  }
0x168: {  	v3 =	vand.u32 $0x380, v3;
	v4 =	vor.u32 v6, v4  }
0x169: {  	v3 =	vor.u32 v3, v4;
	_ =	sdelay $0x1  }
.Ltmp8:
0x16a: {  	(pc) =	sbr.rel @p0 .LBB2_18-.Ltmp8, $3  }
0x16b: {  	_ =	sdelay $0x1  }
0x16c: {  	s25 =	sadd.s32 $0x10, s25;
	[tilespmem:v3+s15+$0x0] =	vst.idx.msk vm0, v0  }
0x16d: {  	s24 =	sadd.s32 $0x10, s24;
	v3 =	vld [tilespmem:s25+$0x0]  }
0x16e: {  	_ =	sdelay $0x3  }
0x16f: {  	v3 =	vadd.s32 $0xFFFFFF10, v3  }
0x170: {  	v4 =	vmov s23;
	vm0 =	vlt.u32 v3, $0x78  }
0x171: {  	v5 =	vor.u32 s23, v1;
	v4 =	vshll.u32 v4, $0x3;
	v3 =	vnsel vm0, $0x0, v3  }
0x172: {  	v5 =	vand.u32 $0x7F, v5;
	v4 =	vand.u32 $0xC00, v4;
	v6 =	vshll.u32 v3, $0x9  }
0x173: {  	v4 =	vor.u32 v4, v5;
	v3 =	vshll.u32 v3, $0x7;
	v6 =	vand.u32 $0xFFFFF000, v6  }
0x174: {  	v3 =	vand.u32 $0x380, v3;
	v4 =	vor.u32 v6, v4  }
0x175: {  	v3 =	vor.u32 v3, v4;
	_ =	sdelay $0x4  }
0x176: {  	[tilespmem:v3+s15+$0x0] =	vst.idx.msk vm0, v0  }
0x177: {  	s23 =	simm.s32 $0x10;
	s24 =	simm.s32 $0x0;
	v3 =	vld [tilespmem:s22+$0x0]  }
.LBB2_20:
0x178: {  	p0 =	sne.s32 s23, $0x1F0;
	_ =	sdelay $0x3  }
0x179: {  	v3 =	vadd.s32 $0xFFFFFE20, v3  }
0x17a: {  	v4 =	vmov s22;
	vm0 =	vlt.u32 v3, $0x78  }
0x17b: {  	v5 =	vor.u32 s22, v1;
	s22 =	smov.u32 s23;
	v4 =	vshll.u32 v4, $0x3;
	v3 =	vnsel vm0, $0x0, v3  }
0x17c: {  	v5 =	vand.u32 $0x7F, v5;
	v4 =	vand.u32 $0xC00, v4;
	v6 =	vshll.u32 v3, $0x9  }
0x17d: {  	v4 =	vor.u32 v4, v5;
	v3 =	vshll.u32 v3, $0x7;
	v6 =	vand.u32 $0xFFFFF000, v6  }
0x17e: {  	v3 =	vand.u32 $0x380, v3;
	v4 =	vor.u32 v6, v4  }
0x17f: {  	v3 =	vor.u32 v3, v4;
	_ =	sdelay $0x1  }
.Ltmp9:
0x180: {  	(pc) =	sbr.rel @p0 .LBB2_20-.Ltmp9, $3  }
0x181: {  	_ =	sdelay $0x1  }
0x182: {  	s24 =	sadd.s32 $0x10, s24;
	[tilespmem:v3+s15+$0x0] =	vst.idx.msk vm0, v2  }
0x183: {  	s23 =	sadd.s32 $0x10, s23;
	v3 =	vld [tilespmem:s24+$0x0]  }
0x184: {  	_ =	sdelay $0x3  }
0x185: {  	v3 =	vadd.s32 $0xFFFFFE20, v3  }
0x186: {  	v4 =	vmov s22;
	vm0 =	vlt.u32 v3, $0x78  }
0x187: {  	v5 =	vor.u32 s22, v1;
	v4 =	vshll.u32 v4, $0x3;
	v3 =	vnsel vm0, $0x0, v3  }
0x188: {  	v5 =	vand.u32 $0x7F, v5;
	v4 =	vand.u32 $0xC00, v4;
	v6 =	vshll.u32 v3, $0x9  }
0x189: {  	v4 =	vor.u32 v4, v5;
	v3 =	vshll.u32 v3, $0x7;
	v6 =	vand.u32 $0xFFFFF000, v6  }
0x18a: {  	v3 =	vand.u32 $0x380, v3;
	v4 =	vor.u32 v6, v4  }
0x18b: {  	v3 =	vor.u32 v3, v4;
	_ =	sdelay $0x4  }
0x18c: {  	[tilespmem:v3+s15+$0x0] =	vst.idx.msk vm0, v2  }
0x18d: {  	[hbm4b:s8+s16] =	stream.strided.scatter [tilespmem:s15], [sflag:$0x1], $0xF000, s17, s16, $0x38;
	[tilespmem:$0x1E200] =	vst v63  }
0x18e: {  	_ =	swait.ge [sflag:s20], $0xF000  }
0x18f: {  	[sflag:s20] =	ssyncset.done $0x0  }
0x190: {  	s22 =	simm.s32 $0x0;
	[sflag:s20] =	ssyncadd.s32 $0xFFFF1000  }
0x191: {  	s24 =	simm.s32 $0x10;
	s23 =	simm.s32 $0x0;
	s25 =	simm.s32 $0x0;
	v3 =	vld [tilespmem:s22+$0x0]  }
.LBB2_22:
0x192: {  	p0 =	sne.s32 s24, $0x1F0;
	_ =	sdelay $0x3  }
0x193: {  	v3 =	vadd.s32 $0xFFFFFE98, v3  }
0x194: {  	v4 =	vmov s23;
	vm0 =	vlt.u32 v3, $0x78  }
0x195: {  	v5 =	vor.u32 s23, v1;
	s23 =	smov.u32 s24;
	v4 =	vshll.u32 v4, $0x3;
	v3 =	vnsel vm0, $0x0, v3  }
0x196: {  	v5 =	vand.u32 $0x7F, v5;
	v4 =	vand.u32 $0xC00, v4;
	v6 =	vshll.u32 v3, $0x9  }
0x197: {  	v4 =	vor.u32 v4, v5;
	v3 =	vshll.u32 v3, $0x7;
	v6 =	vand.u32 $0xFFFFF000, v6  }
0x198: {  	v3 =	vand.u32 $0x380, v3;
	v4 =	vor.u32 v6, v4  }
0x199: {  	v3 =	vor.u32 v3, v4;
	_ =	sdelay $0x1  }
.Ltmp10:
0x19a: {  	(pc) =	sbr.rel @p0 .LBB2_22-.Ltmp10, $3  }
0x19b: {  	_ =	sdelay $0x1  }
0x19c: {  	s25 =	sadd.s32 $0x10, s25;
	[tilespmem:v3+s18+$0x0] =	vst.idx.msk vm0, v0  }
0x19d: {  	s24 =	sadd.s32 $0x10, s24;
	v3 =	vld [tilespmem:s25+$0x0]  }
0x19e: {  	_ =	sdelay $0x3  }
0x19f: {  	v3 =	vadd.s32 $0xFFFFFE98, v3  }
0x1a0: {  	v4 =	vmov s23;
	vm0 =	vlt.u32 v3, $0x78  }
0x1a1: {  	v5 =	vor.u32 s23, v1;
	v4 =	vshll.u32 v4, $0x3;
	v3 =	vnsel vm0, $0x0, v3  }
0x1a2: {  	v5 =	vand.u32 $0x7F, v5;
	v4 =	vand.u32 $0xC00, v4;
	v6 =	vshll.u32 v3, $0x9  }
0x1a3: {  	v4 =	vor.u32 v4, v5;
	v3 =	vshll.u32 v3, $0x7;
	v6 =	vand.u32 $0xFFFFF000, v6  }
0x1a4: {  	v3 =	vand.u32 $0x380, v3;
	v4 =	vor.u32 v6, v4  }
0x1a5: {  	v3 =	vor.u32 v3, v4;
	_ =	sdelay $0x4  }
0x1a6: {  	[tilespmem:v3+s18+$0x0] =	vst.idx.msk vm0, v0  }
0x1a7: {  	s23 =	simm.s32 $0x10;
	s24 =	simm.s32 $0x0;
	v3 =	vld [tilespmem:s22+$0x0]  }
.LBB2_24:
0x1a8: {  	p0 =	sne.s32 s23, $0x1F0;
	_ =	sdelay $0x3  }
0x1a9: {  	v3 =	vadd.s32 $0xFFFFFDA8, v3  }
0x1aa: {  	v4 =	vmov s22;
	vm0 =	vlt.u32 v3, $0x78  }
0x1ab: {  	v5 =	vor.u32 s22, v1;
	s22 =	smov.u32 s23;
	v4 =	vshll.u32 v4, $0x3;
	v3 =	vnsel vm0, $0x0, v3  }
0x1ac: {  	v5 =	vand.u32 $0x7F, v5;
	v4 =	vand.u32 $0xC00, v4;
	v6 =	vshll.u32 v3, $0x9  }
0x1ad: {  	v4 =	vor.u32 v4, v5;
	v3 =	vshll.u32 v3, $0x7;
	v6 =	vand.u32 $0xFFFFF000, v6  }
0x1ae: {  	v3 =	vand.u32 $0x380, v3;
	v4 =	vor.u32 v6, v4  }
0x1af: {  	v3 =	vor.u32 v3, v4;
	_ =	sdelay $0x1  }
.Ltmp11:
0x1b0: {  	(pc) =	sbr.rel @p0 .LBB2_24-.Ltmp11, $3  }
0x1b1: {  	_ =	sdelay $0x1  }
0x1b2: {  	s24 =	sadd.s32 $0x10, s24;
	[tilespmem:v3+s18+$0x0] =	vst.idx.msk vm0, v2  }
0x1b3: {  	s23 =	sadd.s32 $0x10, s23;
	v3 =	vld [tilespmem:s24+$0x0]  }
0x1b4: {  	_ =	sdelay $0x3  }
0x1b5: {  	v3 =	vadd.s32 $0xFFFFFDA8, v3  }
0x1b6: {  	v4 =	vmov s22;
	vm0 =	vlt.u32 v3, $0x78  }
0x1b7: {  	v5 =	vor.u32 s22, v1;
	v4 =	vshll.u32 v4, $0x3;
	v3 =	vnsel vm0, $0x0, v3  }
0x1b8: {  	v5 =	vand.u32 $0x7F, v5;
	v4 =	vand.u32 $0xC00, v4;
	v6 =	vshll.u32 v3, $0x9  }
0x1b9: {  	v4 =	vor.u32 v4, v5;
	v3 =	vshll.u32 v3, $0x7;
	v6 =	vand.u32 $0xFFFFF000, v6  }
0x1ba: {  	v3 =	vand.u32 $0x380, v3;
	v4 =	vor.u32 v6, v4  }
0x1bb: {  	v3 =	vor.u32 v3, v4;
	_ =	sdelay $0x4  }
0x1bc: {  	[tilespmem:v3+s18+$0x0] =	vst.idx.msk vm0, v2  }
0x1bd: {  	[hbm4b:s9+s16] =	stream.strided.scatter [tilespmem:s18], [sflag:$0x2], $0xF000, s17, s16, $0x38;
	[tilespmem:$0x1E200] =	vst v63  }
0x1be: {  	_ =	swait.ge [sflag:s19], $0xF000  }
0x1bf: {  	[sflag:s19] =	ssyncset.done $0x0  }
0x1c0: {  	s22 =	simm.s32 $0x0;
	[sflag:s19] =	ssyncadd.s32 $0xFFFF1000  }
0x1c1: {  	s24 =	simm.s32 $0x10;
	s23 =	simm.s32 $0x0;
	s25 =	simm.s32 $0x0;
	v3 =	vld [tilespmem:s22+$0x0]  }
.LBB2_26:
0x1c2: {  	p0 =	sne.s32 s24, $0x1F0;
	_ =	sdelay $0x3  }
0x1c3: {  	v3 =	vadd.s32 $0xFFFFFE20, v3  }
0x1c4: {  	v4 =	vmov s23;
	vm0 =	vlt.u32 v3, $0x78  }
0x1c5: {  	v5 =	vor.u32 s23, v1;
	s23 =	smov.u32 s24;
	v4 =	vshll.u32 v4, $0x3;
	v3 =	vnsel vm0, $0x0, v3  }
0x1c6: {  	v5 =	vand.u32 $0x7F, v5;
	v4 =	vand.u32 $0xC00, v4;
	v6 =	vshll.u32 v3, $0x9  }
0x1c7: {  	v4 =	vor.u32 v4, v5;
	v3 =	vshll.u32 v3, $0x7;
	v6 =	vand.u32 $0xFFFFF000, v6  }
0x1c8: {  	v3 =	vand.u32 $0x380, v3;
	v4 =	vor.u32 v6, v4  }
0x1c9: {  	v3 =	vor.u32 v3, v4;
	_ =	sdelay $0x1  }
.Ltmp12:
0x1ca: {  	(pc) =	sbr.rel @p0 .LBB2_26-.Ltmp12, $3  }
0x1cb: {  	_ =	sdelay $0x1  }
0x1cc: {  	s25 =	sadd.s32 $0x10, s25;
	[tilespmem:v3+s15+$0x0] =	vst.idx.msk vm0, v0  }
0x1cd: {  	s24 =	sadd.s32 $0x10, s24;
	v3 =	vld [tilespmem:s25+$0x0]  }
0x1ce: {  	_ =	sdelay $0x3  }
0x1cf: {  	v3 =	vadd.s32 $0xFFFFFE20, v3  }
0x1d0: {  	v4 =	vmov s23;
	vm0 =	vlt.u32 v3, $0x78  }
0x1d1: {  	v5 =	vor.u32 s23, v1;
	v4 =	vshll.u32 v4, $0x3;
	v3 =	vnsel vm0, $0x0, v3  }
0x1d2: {  	v5 =	vand.u32 $0x7F, v5;
	v4 =	vand.u32 $0xC00, v4;
	v6 =	vshll.u32 v3, $0x9  }
0x1d3: {  	v4 =	vor.u32 v4, v5;
	v3 =	vshll.u32 v3, $0x7;
	v6 =	vand.u32 $0xFFFFF000, v6  }
0x1d4: {  	v3 =	vand.u32 $0x380, v3;
	v4 =	vor.u32 v6, v4  }
0x1d5: {  	v3 =	vor.u32 v3, v4;
	_ =	sdelay $0x4  }
0x1d6: {  	[tilespmem:v3+s15+$0x0] =	vst.idx.msk vm0, v0  }
0x1d7: {  	s23 =	simm.s32 $0x10;
	s24 =	simm.s32 $0x0;
	v3 =	vld [tilespmem:s22+$0x0]  }
.LBB2_28:
0x1d8: {  	p0 =	sne.s32 s23, $0x1F0;
	_ =	sdelay $0x3  }
0x1d9: {  	v3 =	vadd.s32 $0xFFFFFD30, v3  }
0x1da: {  	v4 =	vmov s22;
	vm0 =	vlt.u32 v3, $0x78  }
0x1db: {  	v5 =	vor.u32 s22, v1;
	s22 =	smov.u32 s23;
	v4 =	vshll.u32 v4, $0x3;
	v3 =	vnsel vm0, $0x0, v3  }
0x1dc: {  	v5 =	vand.u32 $0x7F, v5;
	v4 =	vand.u32 $0xC00, v4;
	v6 =	vshll.u32 v3, $0x9  }
0x1dd: {  	v4 =	vor.u32 v4, v5;
	v3 =	vshll.u32 v3, $0x7;
	v6 =	vand.u32 $0xFFFFF000, v6  }
0x1de: {  	v3 =	vand.u32 $0x380, v3;
	v4 =	vor.u32 v6, v4  }
0x1df: {  	v3 =	vor.u32 v3, v4;
	_ =	sdelay $0x1  }
.Ltmp13:
0x1e0: {  	(pc) =	sbr.rel @p0 .LBB2_28-.Ltmp13, $3  }
0x1e1: {  	_ =	sdelay $0x1  }
0x1e2: {  	s24 =	sadd.s32 $0x10, s24;
	[tilespmem:v3+s15+$0x0] =	vst.idx.msk vm0, v2  }
0x1e3: {  	s23 =	sadd.s32 $0x10, s23;
	v3 =	vld [tilespmem:s24+$0x0]  }
0x1e4: {  	_ =	sdelay $0x3  }
0x1e5: {  	v3 =	vadd.s32 $0xFFFFFD30, v3  }
0x1e6: {  	v4 =	vmov s22;
	vm0 =	vlt.u32 v3, $0x78  }
0x1e7: {  	v5 =	vor.u32 s22, v1;
	v4 =	vshll.u32 v4, $0x3;
	v3 =	vnsel vm0, $0x0, v3  }
0x1e8: {  	v5 =	vand.u32 $0x7F, v5;
	v4 =	vand.u32 $0xC00, v4;
	v6 =	vshll.u32 v3, $0x9  }
0x1e9: {  	v4 =	vor.u32 v4, v5;
	v3 =	vshll.u32 v3, $0x7;
	v6 =	vand.u32 $0xFFFFF000, v6  }
0x1ea: {  	v3 =	vand.u32 $0x380, v3;
	v4 =	vor.u32 v6, v4  }
0x1eb: {  	v3 =	vor.u32 v3, v4;
	_ =	sdelay $0x4  }
0x1ec: {  	[tilespmem:v3+s15+$0x0] =	vst.idx.msk vm0, v2  }
0x1ed: {  	[hbm4b:s10+s16] =	stream.strided.scatter [tilespmem:s15], [sflag:$0x1], $0xF000, s17, s16, $0x38;
	[tilespmem:$0x1E200] =	vst v63  }
0x1ee: {  	_ =	swait.ge [sflag:s20], $0xF000  }
0x1ef: {  	[sflag:s20] =	ssyncset.done $0x0  }
0x1f0: {  	s22 =	simm.s32 $0x0;
	[sflag:s20] =	ssyncadd.s32 $0xFFFF1000  }
0x1f1: {  	s24 =	simm.s32 $0x10;
	s23 =	simm.s32 $0x0;
	s25 =	simm.s32 $0x0;
	v3 =	vld [tilespmem:s22+$0x0]  }
.LBB2_30:
0x1f2: {  	p0 =	sne.s32 s24, $0x1F0;
	_ =	sdelay $0x3  }
0x1f3: {  	v3 =	vadd.s32 $0xFFFFFDA8, v3  }
0x1f4: {  	v4 =	vmov s23;
	vm0 =	vlt.u32 v3, $0x78  }
0x1f5: {  	v5 =	vor.u32 s23, v1;
	s23 =	smov.u32 s24;
	v4 =	vshll.u32 v4, $0x3;
	v3 =	vnsel vm0, $0x0, v3  }
0x1f6: {  	v5 =	vand.u32 $0x7F, v5;
	v4 =	vand.u32 $0xC00, v4;
	v6 =	vshll.u32 v3, $0x9  }
0x1f7: {  	v4 =	vor.u32 v4, v5;
	v3 =	vshll.u32 v3, $0x7;
	v6 =	vand.u32 $0xFFFFF000, v6  }
0x1f8: {  	v3 =	vand.u32 $0x380, v3;
	v4 =	vor.u32 v6, v4  }
0x1f9: {  	v3 =	vor.u32 v3, v4;
	_ =	sdelay $0x1  }
.Ltmp14:
0x1fa: {  	(pc) =	sbr.rel @p0 .LBB2_30-.Ltmp14, $3  }
0x1fb: {  	_ =	sdelay $0x1  }
0x1fc: {  	s25 =	sadd.s32 $0x10, s25;
	[tilespmem:v3+s18+$0x0] =	vst.idx.msk vm0, v0  }
0x1fd: {  	s24 =	sadd.s32 $0x10, s24;
	v3 =	vld [tilespmem:s25+$0x0]  }
0x1fe: {  	_ =	sdelay $0x3  }
0x1ff: {  	v3 =	vadd.s32 $0xFFFFFDA8, v3  }
0x200: {  	v4 =	vmov s23;
	vm0 =	vlt.u32 v3, $0x78  }
0x201: {  	v5 =	vor.u32 s23, v1;
	v4 =	vshll.u32 v4, $0x3;
	v3 =	vnsel vm0, $0x0, v3  }
0x202: {  	v5 =	vand.u32 $0x7F, v5;
	v4 =	vand.u32 $0xC00, v4;
	v6 =	vshll.u32 v3, $0x9  }
0x203: {  	v4 =	vor.u32 v4, v5;
	v3 =	vshll.u32 v3, $0x7;
	v6 =	vand.u32 $0xFFFFF000, v6  }
0x204: {  	v3 =	vand.u32 $0x380, v3;
	v4 =	vor.u32 v6, v4  }
0x205: {  	v3 =	vor.u32 v3, v4;
	_ =	sdelay $0x4  }
0x206: {  	[tilespmem:v3+s18+$0x0] =	vst.idx.msk vm0, v0  }
0x207: {  	s23 =	simm.s32 $0x10;
	s24 =	simm.s32 $0x0;
	v3 =	vld [tilespmem:s22+$0x0]  }
.LBB2_32:
0x208: {  	p0 =	sne.s32 s23, $0x1F0;
	_ =	sdelay $0x3  }
0x209: {  	v3 =	vadd.s32 $0xFFFFFCB8, v3  }
0x20a: {  	v4 =	vmov s22;
	vm0 =	vlt.u32 v3, $0x78  }
0x20b: {  	v5 =	vor.u32 s22, v1;
	s22 =	smov.u32 s23;
	v4 =	vshll.u32 v4, $0x3;
	v3 =	vnsel vm0, $0x0, v3  }
0x20c: {  	v5 =	vand.u32 $0x7F, v5;
	v4 =	vand.u32 $0xC00, v4;
	v6 =	vshll.u32 v3, $0x9  }
0x20d: {  	v4 =	vor.u32 v4, v5;
	v3 =	vshll.u32 v3, $0x7;
	v6 =	vand.u32 $0xFFFFF000, v6  }
0x20e: {  	v3 =	vand.u32 $0x380, v3;
	v4 =	vor.u32 v6, v4  }
0x20f: {  	v3 =	vor.u32 v3, v4;
	_ =	sdelay $0x1  }
.Ltmp15:
0x210: {  	(pc) =	sbr.rel @p0 .LBB2_32-.Ltmp15, $3  }
0x211: {  	_ =	sdelay $0x1  }
0x212: {  	s24 =	sadd.s32 $0x10, s24;
	[tilespmem:v3+s18+$0x0] =	vst.idx.msk vm0, v2  }
0x213: {  	s23 =	sadd.s32 $0x10, s23;
	v3 =	vld [tilespmem:s24+$0x0]  }
0x214: {  	_ =	sdelay $0x3  }
0x215: {  	v3 =	vadd.s32 $0xFFFFFCB8, v3  }
0x216: {  	v4 =	vmov s22;
	vm0 =	vlt.u32 v3, $0x78  }
0x217: {  	v5 =	vor.u32 s22, v1;
	v4 =	vshll.u32 v4, $0x3;
	v3 =	vnsel vm0, $0x0, v3  }
0x218: {  	v5 =	vand.u32 $0x7F, v5;
	v4 =	vand.u32 $0xC00, v4;
	v6 =	vshll.u32 v3, $0x9  }
0x219: {  	v4 =	vor.u32 v4, v5;
	v3 =	vshll.u32 v3, $0x7;
	v6 =	vand.u32 $0xFFFFF000, v6  }
0x21a: {  	v3 =	vand.u32 $0x380, v3;
	v4 =	vor.u32 v6, v4  }
0x21b: {  	v3 =	vor.u32 v3, v4;
	_ =	sdelay $0x4  }
0x21c: {  	[tilespmem:v3+s18+$0x0] =	vst.idx.msk vm0, v2  }
0x21d: {  	[hbm4b:s11+s16] =	stream.strided.scatter [tilespmem:s18], [sflag:$0x2], $0xF000, s17, s16, $0x38;
	[tilespmem:$0x1E200] =	vst v63  }
0x21e: {  	_ =	swait.ge [sflag:s19], $0xF000  }
0x21f: {  	[sflag:s19] =	ssyncset.done $0x0  }
0x220: {  	s22 =	simm.s32 $0x0;
	[sflag:s19] =	ssyncadd.s32 $0xFFFF1000  }
0x221: {  	s24 =	simm.s32 $0x10;
	s23 =	simm.s32 $0x0;
	s25 =	simm.s32 $0x0;
	v3 =	vld [tilespmem:s22+$0x0]  }
.LBB2_34:
0x222: {  	p0 =	sne.s32 s24, $0x1F0;
	_ =	sdelay $0x3  }
0x223: {  	v3 =	vadd.s32 $0xFFFFFD30, v3  }
0x224: {  	v4 =	vmov s23;
	vm0 =	vlt.u32 v3, $0x78  }
0x225: {  	v5 =	vor.u32 s23, v1;
	s23 =	smov.u32 s24;
	v4 =	vshll.u32 v4, $0x3;
	v3 =	vnsel vm0, $0x0, v3  }
0x226: {  	v5 =	vand.u32 $0x7F, v5;
	v4 =	vand.u32 $0xC00, v4;
	v6 =	vshll.u32 v3, $0x9  }
0x227: {  	v4 =	vor.u32 v4, v5;
	v3 =	vshll.u32 v3, $0x7;
	v6 =	vand.u32 $0xFFFFF000, v6  }
0x228: {  	v3 =	vand.u32 $0x380, v3;
	v4 =	vor.u32 v6, v4  }
0x229: {  	v3 =	vor.u32 v3, v4;
	_ =	sdelay $0x1  }
.Ltmp16:
0x22a: {  	(pc) =	sbr.rel @p0 .LBB2_34-.Ltmp16, $3  }
0x22b: {  	_ =	sdelay $0x1  }
0x22c: {  	s25 =	sadd.s32 $0x10, s25;
	[tilespmem:v3+s15+$0x0] =	vst.idx.msk vm0, v0  }
0x22d: {  	s24 =	sadd.s32 $0x10, s24;
	v3 =	vld [tilespmem:s25+$0x0]  }
0x22e: {  	_ =	sdelay $0x3  }
0x22f: {  	v3 =	vadd.s32 $0xFFFFFD30, v3  }
0x230: {  	v4 =	vmov s23;
	vm0 =	vlt.u32 v3, $0x78  }
0x231: {  	v5 =	vor.u32 s23, v1;
	v4 =	vshll.u32 v4, $0x3;
	v3 =	vnsel vm0, $0x0, v3  }
0x232: {  	v5 =	vand.u32 $0x7F, v5;
	v4 =	vand.u32 $0xC00, v4;
	v6 =	vshll.u32 v3, $0x9  }
0x233: {  	v4 =	vor.u32 v4, v5;
	v3 =	vshll.u32 v3, $0x7;
	v6 =	vand.u32 $0xFFFFF000, v6  }
0x234: {  	v3 =	vand.u32 $0x380, v3;
	v4 =	vor.u32 v6, v4  }
0x235: {  	v3 =	vor.u32 v3, v4;
	_ =	sdelay $0x4  }
0x236: {  	[tilespmem:v3+s15+$0x0] =	vst.idx.msk vm0, v0  }
0x237: {  	s23 =	simm.s32 $0x10;
	s24 =	simm.s32 $0x0;
	v3 =	vld [tilespmem:s22+$0x0]  }
.LBB2_36:
0x238: {  	p0 =	sne.s32 s23, $0x1F0;
	_ =	sdelay $0x3  }
0x239: {  	v3 =	vadd.s32 $0xFFFFFC40, v3  }
0x23a: {  	v4 =	vmov s22;
	vm0 =	vlt.u32 v3, $0x28  }
0x23b: {  	v5 =	vor.u32 s22, v1;
	s22 =	smov.u32 s23;
	v4 =	vshll.u32 v4, $0x3;
	v3 =	vnsel vm0, $0x0, v3  }
0x23c: {  	v5 =	vand.u32 $0x7F, v5;
	v4 =	vand.u32 $0xC00, v4;
	v6 =	vshll.u32 v3, $0x9  }
0x23d: {  	v4 =	vor.u32 v4, v5;
	v3 =	vshll.u32 v3, $0x7;
	v6 =	vand.u32 $0xFFFFF000, v6  }
0x23e: {  	v3 =	vand.u32 $0x380, v3;
	v4 =	vor.u32 v6, v4  }
0x23f: {  	v3 =	vor.u32 v3, v4;
	_ =	sdelay $0x1  }
.Ltmp17:
0x240: {  	(pc) =	sbr.rel @p0 .LBB2_36-.Ltmp17, $3  }
0x241: {  	_ =	sdelay $0x1  }
0x242: {  	s24 =	sadd.s32 $0x10, s24;
	[tilespmem:v3+s15+$0x0] =	vst.idx.msk vm0, v2  }
0x243: {  	s23 =	sadd.s32 $0x10, s23;
	v3 =	vld [tilespmem:s24+$0x0]  }
0x244: {  	_ =	sdelay $0x3  }
0x245: {  	v3 =	vadd.s32 $0xFFFFFC40, v3  }
0x246: {  	v4 =	vmov s22;
	vm0 =	vlt.u32 v3, $0x28  }
0x247: {  	v5 =	vor.u32 s22, v1;
	v4 =	vshll.u32 v4, $0x3;
	v3 =	vnsel vm0, $0x0, v3  }
0x248: {  	v5 =	vand.u32 $0x7F, v5;
	v4 =	vand.u32 $0xC00, v4;
	v6 =	vshll.u32 v3, $0x9  }
0x249: {  	v4 =	vor.u32 v4, v5;
	v3 =	vshll.u32 v3, $0x7;
	v6 =	vand.u32 $0xFFFFF000, v6  }
0x24a: {  	v3 =	vand.u32 $0x380, v3;
	v4 =	vor.u32 v6, v4  }
0x24b: {  	v3 =	vor.u32 v3, v4;
	_ =	sdelay $0x4  }
0x24c: {  	s21 =	sadd.s32 $0x1, s21;
	[tilespmem:v3+s15+$0x0] =	vst.idx.msk vm0, v2  }
0x24d: {  	[hbm4b:s12+s16] =	stream.strided.scatter [tilespmem:s15], [sflag:$0x1], $0x5000, s17, s16, $0x38;
	[tilespmem:$0x1E200] =	vst v63  }
0x24e: {  	p0 =	sne.s32 s21, s13;
	_ =	swait.ge [sflag:s19], $0x5000  }
.Ltmp18:
0x24f: {  	[sflag:s19] =	ssyncset.done $0x0;
	(pc) =	sbr.rel @p0 .LBB2_1-.Ltmp18, $4  }
0x250: {  	[sflag:s19] =	ssyncadd.s32 $0xFFFFB000  }
0x251: {  	_ =	swait.ge [sflag:s20], $0xF000  }
0x252: {  	[sflag:s20] =	ssyncset.done $0x0  }
0x253: {  	[sflag:s20] =	ssyncadd.s32 $0xFFFF1000  }
0x254: {  	_ =	sfence.sel $0x180000  }
0x255: {  	[bflag:$0x0] =	sbarrier.arrive $0xFFFF  }
0x256: {  	p0 =	sne.s32 s1, $0x0;
	_ =	strace $0x90000047  }
0x257: {  	s0 =	sadd.s32 @!p0 $0x100000, s0;
	[bflag:$0x2] =	sbarrier.arrive $0xFFFF  }
0x258: {  	[sflag:s0] =	ssyncadd.tile.s32 @!p0 $0x1;
	_ =	shalt  }
.Lfunc_end2:
_tile_overlayer_lowered:
.L_overlay_start_2:
0x259: {  	(tag) =	ssettag $0x2  }
0x25a: {  	s0 =	rddreg [dreg:$0x0];
	s2 =	stileid.u32  }
0x25b: {  	s1 =	rddreg [dreg:$0x1];
	p0 =	sne.s32 s2, $0x0  }
0x25c: {  	s3 =	rddreg [dreg:$0x2];
	[bflag:$0x3] =	sbarrier.arrive $0xFFFF;
	s2 =	simm.s32 @!p0 $0x1C03  }
0x25d: {  	[timem:s3], [sflag:s2] =	dma.local @!p0 [hbm:s0], s1  }
0x25e: {  	s0 =	simm.s32 @!p0 $0x3  }
0x25f: {  	_ =	swait.ge @!p0 [sflag:s0], s1  }
0x260: {  	s1 =	ssub.s32 @!p0 $0x0, s1;
	[sflag:s0] =	ssyncset.done @!p0 $0x0  }
0x261: {  	[sflag:s0] =	ssyncadd.s32 @!p0 s1  }
0x262: {  	[bflag:$0x3] =	sbarrier.arrive $0xFFFF  }
0x263: {  	_ =	shalt  }

</sc_bundles>
